<compile_context>
chip_gen: v7x
topology: tpu7x:2x2x1
jax: 0.10.2.dev20260603
libtpu: 0.0.44.dev20260713+nightly
codegen_flags: <defaults>
</compile_context>

<pallas_src>
import functools

import jax
import jax.numpy as jnp
from jax import lax
from jax.experimental import pallas as pl
from jax.experimental.pallas import tpu as pltpu
from jax.experimental.pallas import tpu_sc as plsc

N = 10000
D = 128
E = 320000
NC, NS = 2, 16
NH = N // NC
L = 16
CHUNK = 128
EPT = E // NS
CAP = 158
TR_BASE = 5120
TR = 1024
N_ACC = TR_BASE + TR
RPT = N_ACC // NS
NBUF = 2


def _make_sc_partition():
    mesh = plsc.VectorSubcoreMesh(
        core_axis_name="c", subcore_axis_name="s", num_cores=NC, num_subcores=NS
    )
    out_type = [
        jax.ShapeDtypeStruct((NC * NS, CAP, CHUNK), jnp.int32),
        jax.ShapeDtypeStruct((NC * NS, CAP, CHUNK), jnp.int32),
        jax.ShapeDtypeStruct((NC * NS, L), jnp.int32),
    ]
    scratch = [
        pltpu.VMEM((1, EPT), jnp.int32),
        pltpu.VMEM((1, EPT), jnp.int32),
        pltpu.VMEM((1, CAP * CHUNK), jnp.int32),
        pltpu.VMEM((1, CAP * CHUNK), jnp.int32),
        pltpu.VMEM((L,), jnp.int32),
    ]

    @functools.partial(pl.kernel, mesh=mesh, out_type=out_type,
                       scratch_types=scratch,
                       compiler_params=pltpu.CompilerParams(
                           needs_layout_passes=False))
    def k(src_hbm, dst_hbm, src_out, dst_out, cnt_out,
          src_v, dst_v, src_o, dst_o, cnt_v):
        c = lax.axis_index("c")
        s = lax.axis_index("s")
        w = c * NS + s
        lo = c * NH

        pltpu.sync_copy(src_hbm.at[s], src_v)
        pltpu.sync_copy(dst_hbm.at[s], dst_v)

        @plsc.parallel_loop(0, EPT // L, carry=jnp.int32(0))
        def row(v, cur):
            sl = pl.ds(v * L, L)
            dv = dst_v[0, sl]
            sv = src_v[0, sl]
            m = (dv >= lo) & (dv < lo + NH)
            mi = m.astype(jnp.int32)
            excl = plsc.cumsum(mi) - mi
            idx = jnp.where(m, cur + excl, CAP * CHUNK - 1)
            plsc.store_scatter(dst_o.at[0], [idx], dv - lo)
            plsc.store_scatter(src_o.at[0], [idx], sv)
            return cur + jnp.sum(mi)

        cur = row

        pair = 2 * CHUNK
        target = jnp.maximum((cur + pair - 1) // pair, 1) * pair
        iota = jax.lax.iota(jnp.int32, L)

        def pad_body(t, cur):
            @pl.when(cur < target)
            def _():
                sp = (cur + iota) & 8191
                dp = TR_BASE + ((cur + iota) & (TR - 16))
                src_o[0, pl.ds(cur, L)] = sp
                dst_o[0, pl.ds(cur, L)] = dp
            return jnp.where(cur < target, cur + L, cur)

        cur = lax.fori_loop(0, 2 * CHUNK // L, pad_body, cur)

        cnt_v[...] = jnp.broadcast_to(target // CHUNK, (L,)).astype(jnp.int32)
        pltpu.sync_copy(cnt_v, cnt_out.at[w])
        pltpu.sync_copy(src_o.reshape(CAP, CHUNK), src_out.at[w])
        pltpu.sync_copy(dst_o.reshape(CAP, CHUNK), dst_out.at[w])

    return k


def _make_sc_agg(with_deg: bool):
    mesh = plsc.VectorSubcoreMesh(
        core_axis_name="c", subcore_axis_name="s", num_cores=NC, num_subcores=NS
    )
    out_type = [jax.ShapeDtypeStruct((NC, N_ACC, D), jnp.float32)]
    if with_deg:
        out_type.append(jax.ShapeDtypeStruct((NC, N_ACC), jnp.float32))
    scratch = [
        pltpu.VMEM((CAP, CHUNK), jnp.int32),
        pltpu.VMEM((CAP, CHUNK), jnp.int32),
        pltpu.VMEM((L,), jnp.int32),
    ] + [pltpu.VMEM((CHUNK, D), jnp.float32) for _ in range(NBUF)] \
      + [pltpu.SemaphoreType.DMA for _ in range(NBUF)] + [
        pltpu.VMEM_SHARED((N_ACC, D), jnp.float32),
    ]
    if with_deg:
        scratch += [
            pltpu.VMEM((CHUNK,), jnp.float32),
            pltpu.VMEM_SHARED((N_ACC,), jnp.float32),
        ]

    @functools.partial(pl.kernel, mesh=mesh, out_type=out_type,
                       scratch_types=scratch)
    def k(*refs):
        if with_deg:
            (src_hbm, dst_hbm, cnt_hbm, x_hbm, zacc_hbm, zdeg_hbm, ones_hbm,
             acc_out, deg_out, src_v, dst_v, cnt_v) = refs[:12]
            bufs = refs[12:12 + NBUF]
            sems = refs[12 + NBUF:12 + 2 * NBUF]
            acc_sh, ones_v, deg_sh = refs[12 + 2 * NBUF:]
        else:
            (src_hbm, dst_hbm, cnt_hbm, x_hbm, zacc_hbm,
             acc_out, src_v, dst_v, cnt_v) = refs[:9]
            bufs = refs[9:9 + NBUF]
            sems = refs[9 + NBUF:9 + 2 * NBUF]
            (acc_sh,) = refs[9 + 2 * NBUF:]

        c = lax.axis_index("c")
        s = lax.axis_index("s")
        w = c * NS + s
        base = s * RPT

        pltpu.sync_copy(zacc_hbm, acc_sh.at[pl.ds(base, RPT)])
        if with_deg:
            pltpu.sync_copy(zdeg_hbm, deg_sh.at[pl.ds(base, RPT)])
            pltpu.sync_copy(ones_hbm, ones_v)
        pltpu.sync_copy(src_hbm.at[w], src_v)
        pltpu.sync_copy(dst_hbm.at[w], dst_v)
        pltpu.sync_copy(cnt_hbm.at[w], cnt_v)
        nc = cnt_v[...][0]
        plsc.subcore_barrier()

        for b in range(NBUF):
            pltpu.async_copy(x_hbm.at[src_v.at[b]], bufs[b], sems[b])

        def step(i, carry):
            for b in range(NBUF):
                j = i * NBUF + b
                pltpu.make_async_copy(x_hbm.at[pl.ds(0, CHUNK)],
                                      bufs[b], sems[b]).wait()
                pltpu.sync_copy(bufs[b], acc_sh.at[dst_v.at[j]], add=True)
                if with_deg:
                    pltpu.sync_copy(ones_v, deg_sh.at[dst_v.at[j]], add=True)

                @pl.when(j + NBUF < nc)
                def _():
                    pltpu.async_copy(x_hbm.at[src_v.at[j + NBUF]],
                                     bufs[b], sems[b])
            return carry

        lax.fori_loop(0, nc // NBUF, step, 0)

        plsc.subcore_barrier()
        pltpu.sync_copy(acc_sh.at[pl.ds(base, RPT)],
                        acc_out.at[c].at[pl.ds(base, RPT)])
        if with_deg:
            pltpu.sync_copy(deg_sh.at[pl.ds(base, RPT)],
                            deg_out.at[c].at[pl.ds(base, RPT)])

    return k


_sc_cache = {}


def _sc_partition(*args):
    if "p" not in _sc_cache:
        _sc_cache["p"] = _make_sc_partition()
    return _sc_cache["p"](*args)


def _sc_agg_deg(*args):
    if True not in _sc_cache:
        _sc_cache[True] = _make_sc_agg(True)
    return _sc_cache[True](*args)


def _sc_agg(*args):
    if False not in _sc_cache:
        _sc_cache[False] = _make_sc_agg(False)
    return _sc_cache[False](*args)


R_TC = 1000


def _make_tc_combine(blend: bool):

    def body(pacc, pdeg, x, p, wl, wr, b, o):
        agg = pacc[0] / jnp.maximum(pdeg[0], 1.0)
        res = (jnp.dot(agg, wl[...], preferred_element_type=jnp.float32)
               + jnp.dot(x[...], wr[...], preferred_element_type=jnp.float32)
               + b[...])
        if blend:
            o[...] = 0.5 * res + 0.5 * p[...]
        else:
            o[...] = res

    def body_noblend(pacc, pdeg, x, wl, wr, b, o):
        body(pacc, pdeg, x, None, wl, wr, b, o)

    in_specs = [
        pl.BlockSpec((1, R_TC, D), lambda i: (i // 5, i % 5, 0)),
        pl.BlockSpec((1, R_TC, 1), lambda i: (i // 5, i % 5, 0)),
        pl.BlockSpec((R_TC, D), lambda i: (i, 0)),
    ]
    if blend:
        in_specs.append(pl.BlockSpec((R_TC, D), lambda i: (i, 0)))
    in_specs += [
        pl.BlockSpec((D, D), lambda i: (0, 0)),
        pl.BlockSpec((D, D), lambda i: (0, 0)),
        pl.BlockSpec((1, D), lambda i: (0, 0)),
    ]
    return pl.pallas_call(
        body if blend else body_noblend,
        grid=(N // R_TC,),
        in_specs=in_specs,
        out_specs=pl.BlockSpec((R_TC, D), lambda i: (i, 0)),
        out_shape=jax.ShapeDtypeStruct((N, D), jnp.float32),
    )


_tc_blend = _make_tc_combine(True)
_tc_plain = _make_tc_combine(False)


def kernel(PLM_feat, LLM_feat, adj_t, Wd_l, Wd_r, bd, Wg_l, Wg_r, bg):
    src_p = adj_t[0].astype(jnp.int32).reshape(NS, 1, EPT)
    dst_p = adj_t[1].astype(jnp.int32).reshape(NS, 1, EPT)

    zacc = jnp.zeros((RPT, D), jnp.float32)
    zdeg = jnp.zeros((RPT,), jnp.float32)
    ones = jnp.ones((CHUNK,), jnp.float32)

    src_r, dst_r, ncnk = _sc_partition(src_p, dst_p)
    pacc1, pdeg = _sc_agg_deg(src_r, dst_r, ncnk, LLM_feat, zacc, zdeg, ones)
    pdeg3 = pdeg.reshape(NC, N_ACC, 1)
    feat = _tc_blend(pacc1, pdeg3, LLM_feat, PLM_feat, Wd_l, Wd_r,
                     bd.reshape(1, D))
    (pacc2,) = _sc_agg(src_r, dst_r, ncnk, feat, zacc)
    h = _tc_plain(pacc2, pdeg3, feat, Wg_l, Wg_r, bg.reshape(1, D))
    return h

# --- scband reference (transcript-rebuilt; emitter-appended) ---
"""Pipeline reference for scband-lpgnn-29403346109049 (READ-ONLY COPY).

The authoritative reference and input builder live on the scoring server;
editing this copy changes nothing except your own understanding.
"""

import jax, jax.numpy as jnp
import numpy as np

N_NODES = 10000
N_EDGES = 320000
D_LLM = 128
D_PLM = 128
ALPHA = 0.5


def sage_conv(x, edge_index, W_l, W_r, b, num_nodes):
    # PyG-style SAGEConv with mean aggregation:
    # out = lin_l(mean_{j in N(i)} x_j) + lin_r(x_i)
    src = edge_index[0]
    dst = edge_index[1]
    msgs = jnp.take(x, src, axis=0)
    agg = jax.ops.segment_sum(msgs, dst, num_segments=num_nodes)
    deg = jax.ops.segment_sum(jnp.ones((msgs.shape[0],), dtype=x.dtype), dst, num_segments=num_nodes)
    agg = agg / jnp.maximum(deg, 1.0)[:, None]
    return agg @ W_l + x @ W_r + b


def setup_inputs(seed: int = 0) -> dict:
    key = jax.random.key(seed)
    k1, k2, k3, k4, k5, k6, k7, k8, k9 = jax.random.split(key, 9)
    PLM_feat = jax.random.normal(k1, (N_NODES, D_PLM), dtype=jnp.float32)
    LLM_feat = jax.random.normal(k2, (N_NODES, D_LLM), dtype=jnp.float32)
    edge_index = jax.random.randint(k3, (2, N_EDGES), 0, N_NODES, dtype=jnp.int64)
    s = 1.0 / np.sqrt(D_LLM)
    # decomposition SAGEConv(LLM_in_feats=128 -> PLM_in_feats=128)
    Wd_l = jax.random.uniform(k4, (D_LLM, D_PLM), dtype=jnp.float32, minval=-s, maxval=s)
    Wd_r = jax.random.uniform(k5, (D_LLM, D_PLM), dtype=jnp.float32, minval=-s, maxval=s)
    bd = jnp.zeros((D_PLM,), dtype=jnp.float32)
    # GNN: single SAGEConv(PLM_in_feats=128 -> 128)
    Wg_l = jax.random.uniform(k6, (D_PLM, D_PLM), dtype=jnp.float32, minval=-s, maxval=s)
    Wg_r = jax.random.uniform(k7, (D_PLM, D_PLM), dtype=jnp.float32, minval=-s, maxval=s)
    bg = jnp.zeros((D_PLM,), dtype=jnp.float32)
    return {
        'PLM_feat': PLM_feat,
        'LLM_feat': LLM_feat,
        'adj_t': edge_index,
        'Wd_l': Wd_l,
        'Wd_r': Wd_r,
        'bd': bd,
        'Wg_l': Wg_l,
        'Wg_r': Wg_r,
        'bg': bg,
    }


def reference(PLM_feat, LLM_feat, adj_t, Wd_l, Wd_r, bd, Wg_l, Wg_r, bg):
    # LLM_feat = self.decomposition(LLM_feat, adj_t)  (conv == 'SAGE')
    LLM_dec = sage_conv(LLM_feat, adj_t, Wd_l, Wd_r, bd, N_NODES)
    # feat = alpha * LLM_feat + (1 - alpha) * PLM_feat
    feat = ALPHA * LLM_dec + (1.0 - ALPHA) * PLM_feat
    # h = self.GNN(feat, adj_t)
    h = sage_conv(feat, adj_t, Wg_l, Wg_r, bg, N_NODES)
    return h

if __name__ == "__main__":
    import jax
    _d = setup_inputs()
    print(jax.jit(kernel)(*tuple(_d.values())))

</pallas_src>

<mosaic_0001>
#map = affine_map<(d0, d1) -> (0, 0, 0)>
#map1 = affine_map<(d0, d1) -> (0, 0)>
#map2 = affine_map<(d0, d1) -> (0)>
module attributes {stable_mosaic.version = 14 : i64} {
  func.func @k(%arg0: i32, %arg1: i32, %arg2: memref<32x158x128xi32, #tpu.memory_space<hbm>>, %arg3: memref<32x158x128xi32, #tpu.memory_space<hbm>>, %arg4: memref<32x16xi32, #tpu.memory_space<hbm>>, %arg5: memref<10000x128xf32, #tpu.memory_space<hbm>>, %arg6: memref<384x128xf32, #tpu.memory_space<hbm>>, %arg7: memref<384xf32, #tpu.memory_space<hbm>>, %arg8: memref<128xf32, #tpu.memory_space<hbm>>, %arg9: memref<2x6144x128xf32, #tpu.memory_space<hbm>>, %arg10: memref<2x6144xf32, #tpu.memory_space<hbm>>, %arg11: memref<158x128xi32, #tpu.memory_space<vmem>>, %arg12: memref<158x128xi32, #tpu.memory_space<vmem>>, %arg13: memref<16xi32, #tpu.memory_space<vmem>>, %arg14: memref<128x128xf32, #tpu.memory_space<vmem>>, %arg15: memref<128x128xf32, #tpu.memory_space<vmem>>, %arg16: memref<!tpu.dma_semaphore, #tpu.memory_space<semaphore_mem>>, %arg17: memref<!tpu.dma_semaphore, #tpu.memory_space<semaphore_mem>>, %arg18: memref<6144x128xf32, #tpu.memory_space<vmem_shared>>, %arg19: memref<128xf32, #tpu.memory_space<vmem>>, %arg20: memref<6144xf32, #tpu.memory_space<vmem_shared>>) attributes {dimension_semantics = [#tpu.dimension_semantics<core_parallel>, #tpu.dimension_semantics<subcore_parallel>], iteration_bounds = array<i64: 2, 16>, scalar_prefetch = 0 : i64, scratch_operands = 10 : i64, tpu.core_type = #tpu.core_type<sc_vector_subcore>, window_params = [{transform_indices = #map}, {transform_indices = #map}, {transform_indices = #map1}, {transform_indices = #map1}, {transform_indices = #map1}, {transform_indices = #map2}, {transform_indices = #map2}, {transform_indices = #map}, {transform_indices = #map1}]} {
    %mul3A = arith.constant 16 : i32
    %mul3A_0 = arith.muli %arg0, %mul3A : i32
    %add3A = arith.addi %mul3A_0, %arg1 : i32
    %mul3A_1 = arith.constant 384 : i32
    %mul3A_2 = arith.muli %arg1, %mul3A_1 : i32
    "tpu.region"() ({
      %run_scoped3A = tpu.sem_alloc : memref<!tpu.dma_semaphore, #tpu.memory_space<semaphore_mem>>
      %dma_start3A_44 = arith.constant 0 : i32
      %dma_start3A_45 = tpu.memref_slice %arg18[%mul3A_2, %dma_start3A_44] : memref<6144x128xf32, #tpu.memory_space<vmem_shared>> -> memref<384x128xf32, #tpu.memory_space<vmem_shared>>
      tpu.enqueue_dma source(%arg6 : memref<384x128xf32, #tpu.memory_space<hbm>>) target(%dma_start3A_45 : memref<384x128xf32, #tpu.memory_space<vmem_shared>>) target_semaphore(%run_scoped3A : memref<!tpu.dma_semaphore, #tpu.memory_space<semaphore_mem>>)
      %dma_wait3A = arith.constant 0 : i32
      %dma_wait3A_46 = tpu.memref_slice %arg18[%mul3A_2, %dma_wait3A] : memref<6144x128xf32, #tpu.memory_space<vmem_shared>> -> memref<384x128xf32, #tpu.memory_space<vmem_shared>>
      tpu.wait_dma2 semaphore(%run_scoped3A : memref<!tpu.dma_semaphore, #tpu.memory_space<semaphore_mem>>) src(%arg6 : memref<384x128xf32, #tpu.memory_space<hbm>>) dst(%dma_wait3A_46 : memref<384x128xf32, #tpu.memory_space<vmem_shared>>)
      tpu.yield
    }) : () -> ()
    "tpu.region"() ({
      %run_scoped3A = tpu.sem_alloc : memref<!tpu.dma_semaphore, #tpu.memory_space<semaphore_mem>>
      %dma_start3A_44 = tpu.memref_slice %arg20[%mul3A_2] : memref<6144xf32, #tpu.memory_space<vmem_shared>> -> memref<384xf32, #tpu.memory_space<vmem_shared>>
      tpu.enqueue_dma source(%arg7 : memref<384xf32, #tpu.memory_space<hbm>>) target(%dma_start3A_44 : memref<384xf32, #tpu.memory_space<vmem_shared>>) target_semaphore(%run_scoped3A : memref<!tpu.dma_semaphore, #tpu.memory_space<semaphore_mem>>)
      %dma_wait3A = tpu.memref_slice %arg20[%mul3A_2] : memref<6144xf32, #tpu.memory_space<vmem_shared>> -> memref<384xf32, #tpu.memory_space<vmem_shared>>
      tpu.wait_dma2 semaphore(%run_scoped3A : memref<!tpu.dma_semaphore, #tpu.memory_space<semaphore_mem>>) src(%arg7 : memref<384xf32, #tpu.memory_space<hbm>>) dst(%dma_wait3A : memref<384xf32, #tpu.memory_space<vmem_shared>>)
      tpu.yield
    }) : () -> ()
    "tpu.region"() ({
      %run_scoped3A = tpu.sem_alloc : memref<!tpu.dma_semaphore, #tpu.memory_space<semaphore_mem>>
      tpu.enqueue_dma source(%arg8 : memref<128xf32, #tpu.memory_space<hbm>>) target(%arg19 : memref<128xf32, #tpu.memory_space<vmem>>) target_semaphore(%run_scoped3A : memref<!tpu.dma_semaphore, #tpu.memory_space<semaphore_mem>>)
      tpu.wait_dma2 semaphore(%run_scoped3A : memref<!tpu.dma_semaphore, #tpu.memory_space<semaphore_mem>>) src(%arg8 : memref<128xf32, #tpu.memory_space<hbm>>) dst(%arg19 : memref<128xf32, #tpu.memory_space<vmem>>)
      tpu.yield
    }) : () -> ()
    "tpu.region"() ({
      %run_scoped3A = tpu.sem_alloc : memref<!tpu.dma_semaphore, #tpu.memory_space<semaphore_mem>>
      %dma_start3A_44 = arith.constant 0 : i32
      %dma_start3A_45 = arith.constant 0 : i32
      %dma_start3A_46 = tpu.memref_slice %arg2[%add3A, %dma_start3A_44, %dma_start3A_45] : memref<32x158x128xi32, #tpu.memory_space<hbm>> -> memref<1x158x128xi32, #tpu.memory_space<hbm>>
      %dma_start3A_47 = tpu.memref_squeeze %dma_start3A_46 : memref<1x158x128xi32, #tpu.memory_space<hbm>> -> memref<158x128xi32, #tpu.memory_space<hbm>>
      %dma_start3A_48 = arith.constant 0 : i32
      %dma_start3A_49 = arith.constant 0 : i32
      %dma_start3A_50 = tpu.memref_slice %arg2[%add3A, %dma_start3A_48, %dma_start3A_49] : memref<32x158x128xi32, #tpu.memory_space<hbm>> -> memref<1x158x128xi32, #tpu.memory_space<hbm>>
      %dma_start3A_51 = tpu.memref_squeeze %dma_start3A_50 : memref<1x158x128xi32, #tpu.memory_space<hbm>> -> memref<158x128xi32, #tpu.memory_space<hbm>>
      tpu.enqueue_dma source(%dma_start3A_51 : memref<158x128xi32, #tpu.memory_space<hbm>>) target(%arg11 : memref<158x128xi32, #tpu.memory_space<vmem>>) target_semaphore(%run_scoped3A : memref<!tpu.dma_semaphore, #tpu.memory_space<semaphore_mem>>)
      %dma_wait3A = arith.constant 0 : i32
      %dma_wait3A_52 = arith.constant 0 : i32
      %dma_wait3A_53 = tpu.memref_slice %arg2[%add3A, %dma_wait3A, %dma_wait3A_52] : memref<32x158x128xi32, #tpu.memory_space<hbm>> -> memref<1x158x128xi32, #tpu.memory_space<hbm>>
      %dma_wait3A_54 = tpu.memref_squeeze %dma_wait3A_53 : memref<1x158x128xi32, #tpu.memory_space<hbm>> -> memref<158x128xi32, #tpu.memory_space<hbm>>
      %dma_wait3A_55 = arith.constant 0 : i32
      %dma_wait3A_56 = arith.constant 0 : i32
      %dma_wait3A_57 = tpu.memref_slice %arg2[%add3A, %dma_wait3A_55, %dma_wait3A_56] : memref<32x158x128xi32, #tpu.memory_space<hbm>> -> memref<1x158x128xi32, #tpu.memory_space<hbm>>
      %dma_wait3A_58 = tpu.memref_squeeze %dma_wait3A_57 : memref<1x158x128xi32, #tpu.memory_space<hbm>> -> memref<158x128xi32, #tpu.memory_space<hbm>>
      tpu.wait_dma2 semaphore(%run_scoped3A : memref<!tpu.dma_semaphore, #tpu.memory_space<semaphore_mem>>) src(%dma_wait3A_58 : memref<158x128xi32, #tpu.memory_space<hbm>>) dst(%arg11 : memref<158x128xi32, #tpu.memory_space<vmem>>)
      tpu.yield
    }) : () -> ()
    "tpu.region"() ({
      %run_scoped3A = tpu.sem_alloc : memref<!tpu.dma_semaphore, #tpu.memory_space<semaphore_mem>>
      %dma_start3A_44 = arith.constant 0 : i32
      %dma_start3A_45 = arith.constant 0 : i32
      %dma_start3A_46 = tpu.memref_slice %arg3[%add3A, %dma_start3A_44, %dma_start3A_45] : memref<32x158x128xi32, #tpu.memory_space<hbm>> -> memref<1x158x128xi32, #tpu.memory_space<hbm>>
      %dma_start3A_47 = tpu.memref_squeeze %dma_start3A_46 : memref<1x158x128xi32, #tpu.memory_space<hbm>> -> memref<158x128xi32, #tpu.memory_space<hbm>>
      %dma_start3A_48 = arith.constant 0 : i32
      %dma_start3A_49 = arith.constant 0 : i32
      %dma_start3A_50 = tpu.memref_slice %arg3[%add3A, %dma_start3A_48, %dma_start3A_49] : memref<32x158x128xi32, #tpu.memory_space<hbm>> -> memref<1x158x128xi32, #tpu.memory_space<hbm>>
      %dma_start3A_51 = tpu.memref_squeeze %dma_start3A_50 : memref<1x158x128xi32, #tpu.memory_space<hbm>> -> memref<158x128xi32, #tpu.memory_space<hbm>>
      tpu.enqueue_dma source(%dma_start3A_51 : memref<158x128xi32, #tpu.memory_space<hbm>>) target(%arg12 : memref<158x128xi32, #tpu.memory_space<vmem>>) target_semaphore(%run_scoped3A : memref<!tpu.dma_semaphore, #tpu.memory_space<semaphore_mem>>)
      %dma_wait3A = arith.constant 0 : i32
      %dma_wait3A_52 = arith.constant 0 : i32
      %dma_wait3A_53 = tpu.memref_slice %arg3[%add3A, %dma_wait3A, %dma_wait3A_52] : memref<32x158x128xi32, #tpu.memory_space<hbm>> -> memref<1x158x128xi32, #tpu.memory_space<hbm>>
      %dma_wait3A_54 = tpu.memref_squeeze %dma_wait3A_53 : memref<1x158x128xi32, #tpu.memory_space<hbm>> -> memref<158x128xi32, #tpu.memory_space<hbm>>
      %dma_wait3A_55 = arith.constant 0 : i32
      %dma_wait3A_56 = arith.constant 0 : i32
      %dma_wait3A_57 = tpu.memref_slice %arg3[%add3A, %dma_wait3A_55, %dma_wait3A_56] : memref<32x158x128xi32, #tpu.memory_space<hbm>> -> memref<1x158x128xi32, #tpu.memory_space<hbm>>
      %dma_wait3A_58 = tpu.memref_squeeze %dma_wait3A_57 : memref<1x158x128xi32, #tpu.memory_space<hbm>> -> memref<158x128xi32, #tpu.memory_space<hbm>>
      tpu.wait_dma2 semaphore(%run_scoped3A : memref<!tpu.dma_semaphore, #tpu.memory_space<semaphore_mem>>) src(%dma_wait3A_58 : memref<158x128xi32, #tpu.memory_space<hbm>>) dst(%arg12 : memref<158x128xi32, #tpu.memory_space<vmem>>)
      tpu.yield
    }) : () -> ()
    "tpu.region"() ({
      %run_scoped3A = tpu.sem_alloc : memref<!tpu.dma_semaphore, #tpu.memory_space<semaphore_mem>>
      %dma_start3A_44 = arith.constant 0 : i32
      %dma_start3A_45 = tpu.memref_slice %arg4[%add3A, %dma_start3A_44] : memref<32x16xi32, #tpu.memory_space<hbm>> -> memref<1x16xi32, #tpu.memory_space<hbm>>
      %dma_start3A_46 = tpu.memref_squeeze %dma_start3A_45 : memref<1x16xi32, #tpu.memory_space<hbm>> -> memref<16xi32, #tpu.memory_space<hbm>>
      %dma_start3A_47 = arith.constant 0 : i32
      %dma_start3A_48 = tpu.memref_slice %arg4[%add3A, %dma_start3A_47] : memref<32x16xi32, #tpu.memory_space<hbm>> -> memref<1x16xi32, #tpu.memory_space<hbm>>
      %dma_start3A_49 = tpu.memref_squeeze %dma_start3A_48 : memref<1x16xi32, #tpu.memory_space<hbm>> -> memref<16xi32, #tpu.memory_space<hbm>>
      tpu.enqueue_dma source(%dma_start3A_49 : memref<16xi32, #tpu.memory_space<hbm>>) target(%arg13 : memref<16xi32, #tpu.memory_space<vmem>>) target_semaphore(%run_scoped3A : memref<!tpu.dma_semaphore, #tpu.memory_space<semaphore_mem>>)
      %dma_wait3A = arith.constant 0 : i32
      %dma_wait3A_50 = tpu.memref_slice %arg4[%add3A, %dma_wait3A] : memref<32x16xi32, #tpu.memory_space<hbm>> -> memref<1x16xi32, #tpu.memory_space<hbm>>
      %dma_wait3A_51 = tpu.memref_squeeze %dma_wait3A_50 : memref<1x16xi32, #tpu.memory_space<hbm>> -> memref<16xi32, #tpu.memory_space<hbm>>
      %dma_wait3A_52 = arith.constant 0 : i32
      %dma_wait3A_53 = tpu.memref_slice %arg4[%add3A, %dma_wait3A_52] : memref<32x16xi32, #tpu.memory_space<hbm>> -> memref<1x16xi32, #tpu.memory_space<hbm>>
      %dma_wait3A_54 = tpu.memref_squeeze %dma_wait3A_53 : memref<1x16xi32, #tpu.memory_space<hbm>> -> memref<16xi32, #tpu.memory_space<hbm>>
      tpu.wait_dma2 semaphore(%run_scoped3A : memref<!tpu.dma_semaphore, #tpu.memory_space<semaphore_mem>>) src(%dma_wait3A_54 : memref<16xi32, #tpu.memory_space<hbm>>) dst(%arg13 : memref<16xi32, #tpu.memory_space<vmem>>)
      tpu.yield
    }) : () -> ()
    %get3A = arith.constant 0 : index
    %get3A_3 = tpu.vector_load %arg13[%get3A] {strides = array<i32>} : memref<16xi32, #tpu.memory_space<vmem>>, vector<16xi32>,
    %get3A_4 = vector.shape_cast %get3A_3 : vector<16xi32> to vector<16xi32>
    %slice3A = vector.extract_strided_slice %get3A_4 {offsets = [0], sizes = [1], strides = [1]} : vector<16xi32> to vector<1xi32>
    %squeeze3A = vector.extract %slice3A[0] : i32 from vector<1xi32>
    %barrier3A = arith.constant 0 : index
    tpu.barrier barrier_id(%barrier3A)
    %dma_start3A = arith.constant 0 : i32
    %dma_start3A_5 = arith.constant 0 : i32
    %dma_start3A_6 = tpu.memref_slice %arg11[%dma_start3A, %dma_start3A_5] : memref<158x128xi32, #tpu.memory_space<vmem>> -> memref<1x128xi32, #tpu.memory_space<vmem>>
    %dma_start3A_7 = tpu.memref_squeeze %dma_start3A_6 : memref<1x128xi32, #tpu.memory_space<vmem>> -> memref<128xi32, #tpu.memory_space<vmem>>
    %dma_start3A_8 = arith.constant 0 : i32
    %dma_start3A_9 = arith.constant 0 : i32
    %dma_start3A_10 = tpu.memref_slice %arg5[%dma_start3A_8, %dma_start3A_9] : memref<10000x128xf32, #tpu.memory_space<hbm>> -> memref<10000x128xf32, #tpu.memory_space<hbm>>
    tpu.enqueue_indirect_dma source(%dma_start3A_10 : memref<10000x128xf32, #tpu.memory_space<hbm>>) target(%arg14 : memref<128x128xf32, #tpu.memory_space<vmem>>) offsets(%dma_start3A_7 : memref<128xi32, #tpu.memory_space<vmem>>) semaphore(%arg16 : memref<!tpu.dma_semaphore, #tpu.memory_space<semaphore_mem>>)
    %dma_start3A_11 = arith.constant 1 : i32
    %dma_start3A_12 = arith.constant 0 : i32
    %dma_start3A_13 = tpu.memref_slice %arg11[%dma_start3A_11, %dma_start3A_12] : memref<158x128xi32, #tpu.memory_space<vmem>> -> memref<1x128xi32, #tpu.memory_space<vmem>>
    %dma_start3A_14 = tpu.memref_squeeze %dma_start3A_13 : memref<1x128xi32, #tpu.memory_space<vmem>> -> memref<128xi32, #tpu.memory_space<vmem>>
    %dma_start3A_15 = arith.constant 0 : i32
    %dma_start3A_16 = arith.constant 0 : i32
    %dma_start3A_17 = tpu.memref_slice %arg5[%dma_start3A_15, %dma_start3A_16] : memref<10000x128xf32, #tpu.memory_space<hbm>> -> memref<10000x128xf32, #tpu.memory_space<hbm>>
    tpu.enqueue_indirect_dma source(%dma_start3A_17 : memref<10000x128xf32, #tpu.memory_space<hbm>>) target(%arg15 : memref<128x128xf32, #tpu.memory_space<vmem>>) offsets(%dma_start3A_14 : memref<128xi32, #tpu.memory_space<vmem>>) semaphore(%arg17 : memref<!tpu.dma_semaphore, #tpu.memory_space<semaphore_mem>>)
    %jit3A = arith.constant 2 : i32
    %div3A = arith.divsi %squeeze3A, %jit3A : i32
    %sign3A = arith.constant 0 : i32
    %sign3A_18 = arith.cmpi sgt, %squeeze3A, %sign3A : i32
    %sign3A_19 = arith.extui %sign3A_18 : i1 to i32
    %sign3A_20 = arith.constant 0 : i32
    %sign3A_21 = arith.cmpi slt, %squeeze3A, %sign3A_20 : i32
    %sign3A_22 = arith.extui %sign3A_21 : i1 to i32
    %sign3A_23 = arith.subi %sign3A_19, %sign3A_22 : i32
    %sign3A_24 = arith.constant 0 : i32
    %sign3A_25 = arith.cmpi sgt, %jit3A, %sign3A_24 : i32
    %sign3A_26 = arith.extui %sign3A_25 : i1 to i32
    %sign3A_27 = arith.constant 0 : i32
    %sign3A_28 = arith.cmpi slt, %jit3A, %sign3A_27 : i32
    %sign3A_29 = arith.extui %sign3A_28 : i1 to i32
    %sign3A_30 = arith.subi %sign3A_26, %sign3A_29 : i32
    %ne3A = arith.cmpi ne, %sign3A_23, %sign3A_30 : i32
    %rem3A = arith.remsi %squeeze3A, %jit3A : i32
    %ne3A_31 = arith.constant 0 : i32
    %ne3A_32 = arith.cmpi ne, %rem3A, %ne3A_31 : i32
    %and3A = arith.andi %ne3A, %ne3A_32 : i1
    %sub3A = arith.constant 1 : i32
    %sub3A_33 = arith.subi %div3A, %sub3A : i32
    %select_n3A = arith.select %and3A, %sub3A_33, %div3A : i32
    %while3A = arith.constant 0 : i32
    %while3A_34 = arith.constant 0 : i32
    %while3A_35 = arith.subi %select_n3A, %while3A_34 : i32
    %while3A_36 = arith.addi %while3A_34, %while3A_35 : i32
    %while3A_37 = arith.constant 1 : i32
    %while3A_38 = arith.divsi %while3A_35, %while3A_37 : i32
    %while3A_39 = arith.muli %while3A_38, %while3A_37 : i32
    %while3A_40 = arith.addi %while3A_34, %while3A_39 : i32
    %while3A_41 = arith.constant 1 : i32
    scf.for %while3A_44 = %while3A_34 to %while3A_40 step %while3A_41  : i32 {
      %mul3A_45 = arith.constant 2 : i32
      %mul3A_46 = arith.muli %while3A_44, %mul3A_45 : i32
      %add3A_47 = arith.constant 0 : i32
      %add3A_48 = arith.addi %mul3A_46, %add3A_47 : i32
      %dma_wait3A = arith.constant 0 : i32
      %dma_wait3A_49 = arith.constant 0 : i32
      %dma_wait3A_50 = tpu.memref_slice %arg5[%dma_wait3A, %dma_wait3A_49] : memref<10000x128xf32, #tpu.memory_space<hbm>> -> memref<128x128xf32, #tpu.memory_space<hbm>>
      %dma_wait3A_51 = arith.constant 0 : i32
      %dma_wait3A_52 = arith.constant 0 : i32
      %dma_wait3A_53 = tpu.memref_slice %arg5[%dma_wait3A_51, %dma_wait3A_52] : memref<10000x128xf32, #tpu.memory_space<hbm>> -> memref<128x128xf32, #tpu.memory_space<hbm>>
      tpu.wait_dma2 semaphore(%arg16 : memref<!tpu.dma_semaphore, #tpu.memory_space<semaphore_mem>>) src(%dma_wait3A_53 : memref<128x128xf32, #tpu.memory_space<hbm>>) dst(%arg14 : memref<128x128xf32, #tpu.memory_space<vmem>>)
      "tpu.region"() ({
        %run_scoped3A = tpu.sem_alloc : memref<!tpu.dma_semaphore, #tpu.memory_space<semaphore_mem>>
        %dma_start3A_73 = arith.constant 0 : i32
        %dma_start3A_74 = tpu.memref_slice %arg12[%add3A_48, %dma_start3A_73] : memref<158x128xi32, #tpu.memory_space<vmem>> -> memref<1x128xi32, #tpu.memory_space<vmem>>
        %dma_start3A_75 = tpu.memref_squeeze %dma_start3A_74 : memref<1x128xi32, #tpu.memory_space<vmem>> -> memref<128xi32, #tpu.memory_space<vmem>>
        %dma_start3A_76 = arith.constant 0 : i32
        %dma_start3A_77 = arith.constant 0 : i32
        %dma_start3A_78 = tpu.memref_slice %arg18[%dma_start3A_76, %dma_start3A_77] : memref<6144x128xf32, #tpu.memory_space<vmem_shared>> -> memref<6144x128xf32, #tpu.memory_space<vmem_shared>>
        tpu.enqueue_indirect_dma source(%arg14 : memref<128x128xf32, #tpu.memory_space<vmem>>) target(%dma_start3A_78 : memref<6144x128xf32, #tpu.memory_space<vmem_shared>>) offsets(%dma_start3A_75 : memref<128xi32, #tpu.memory_space<vmem>>) semaphore(%run_scoped3A : memref<!tpu.dma_semaphore, #tpu.memory_space<semaphore_mem>>) {add = true}
        %dma_wait3A_79 = arith.constant 0 : i32
        %dma_wait3A_80 = tpu.memref_slice %arg12[%add3A_48, %dma_wait3A_79] : memref<158x128xi32, #tpu.memory_space<vmem>> -> memref<1x128xi32, #tpu.memory_space<vmem>>
        %dma_wait3A_81 = tpu.memref_squeeze %dma_wait3A_80 : memref<1x128xi32, #tpu.memory_space<vmem>> -> memref<128xi32, #tpu.memory_space<vmem>>
        %dma_wait3A_82 = arith.constant 0 : i32
        %dma_wait3A_83 = arith.constant 0 : i32
        %dma_wait3A_84 = tpu.memref_slice %arg18[%dma_wait3A_82, %dma_wait3A_83] : memref<6144x128xf32, #tpu.memory_space<vmem_shared>> -> memref<6144x128xf32, #tpu.memory_space<vmem_shared>>
        tpu.wait_indirect_dma semaphore(%run_scoped3A : memref<!tpu.dma_semaphore, #tpu.memory_space<semaphore_mem>>) src(%arg14 : memref<128x128xf32, #tpu.memory_space<vmem>>) dst(%dma_wait3A_84 : memref<6144x128xf32, #tpu.memory_space<vmem_shared>>)
        tpu.yield
      }) : () -> ()
      "tpu.region"() ({
        %run_scoped3A = tpu.sem_alloc : memref<!tpu.dma_semaphore, #tpu.memory_space<semaphore_mem>>
        %dma_start3A_73 = arith.constant 0 : i32
        %dma_start3A_74 = tpu.memref_slice %arg12[%add3A_48, %dma_start3A_73] : memref<158x128xi32, #tpu.memory_space<vmem>> -> memref<1x128xi32, #tpu.memory_space<vmem>>
        %dma_start3A_75 = tpu.memref_squeeze %dma_start3A_74 : memref<1x128xi32, #tpu.memory_space<vmem>> -> memref<128xi32, #tpu.memory_space<vmem>>
        %dma_start3A_76 = arith.constant 0 : i32
        %dma_start3A_77 = tpu.memref_slice %arg20[%dma_start3A_76] : memref<6144xf32, #tpu.memory_space<vmem_shared>> -> memref<6144xf32, #tpu.memory_space<vmem_shared>>
        tpu.enqueue_indirect_dma source(%arg19 : memref<128xf32, #tpu.memory_space<vmem>>) target(%dma_start3A_77 : memref<6144xf32, #tpu.memory_space<vmem_shared>>) offsets(%dma_start3A_75 : memref<128xi32, #tpu.memory_space<vmem>>) semaphore(%run_scoped3A : memref<!tpu.dma_semaphore, #tpu.memory_space<semaphore_mem>>) {add = true}
        %dma_wait3A_78 = arith.constant 0 : i32
        %dma_wait3A_79 = tpu.memref_slice %arg12[%add3A_48, %dma_wait3A_78] : memref<158x128xi32, #tpu.memory_space<vmem>> -> memref<1x128xi32, #tpu.memory_space<vmem>>
        %dma_wait3A_80 = tpu.memref_squeeze %dma_wait3A_79 : memref<1x128xi32, #tpu.memory_space<vmem>> -> memref<128xi32, #tpu.memory_space<vmem>>
        %dma_wait3A_81 = arith.constant 0 : i32
        %dma_wait3A_82 = tpu.memref_slice %arg20[%dma_wait3A_81] : memref<6144xf32, #tpu.memory_space<vmem_shared>> -> memref<6144xf32, #tpu.memory_space<vmem_shared>>
        tpu.wait_indirect_dma semaphore(%run_scoped3A : memref<!tpu.dma_semaphore, #tpu.memory_space<semaphore_mem>>) src(%arg19 : memref<128xf32, #tpu.memory_space<vmem>>) dst(%dma_wait3A_82 : memref<6144xf32, #tpu.memory_space<vmem_shared>>)
        tpu.yield
      }) : () -> ()
      %add3A_54 = arith.constant 2 : i32
      %add3A_55 = arith.addi %add3A_48, %add3A_54 : i32
      %lt3A = arith.cmpi slt, %add3A_55, %squeeze3A : i32
      %convert_element_type3A = arith.extui %lt3A : i1 to i32
      %cond3A = arith.constant 0 : i32
      %cond3A_56 = arith.cmpi ne, %convert_element_type3A, %cond3A : i32
      scf.if %cond3A_56 {
        %add3A_73 = arith.constant 2 : i32
        %add3A_74 = arith.addi %add3A_48, %add3A_73 : i32
        %dma_start3A_75 = arith.constant 0 : i32
        %dma_start3A_76 = tpu.memref_slice %arg11[%add3A_74, %dma_start3A_75] : memref<158x128xi32, #tpu.memory_space<vmem>> -> memref<1x128xi32, #tpu.memory_space<vmem>>
        %dma_start3A_77 = tpu.memref_squeeze %dma_start3A_76 : memref<1x128xi32, #tpu.memory_space<vmem>> -> memref<128xi32, #tpu.memory_space<vmem>>
        %dma_start3A_78 = arith.constant 0 : i32
        %dma_start3A_79 = arith.constant 0 : i32
        %dma_start3A_80 = tpu.memref_slice %arg5[%dma_start3A_78, %dma_start3A_79] : memref<10000x128xf32, #tpu.memory_space<hbm>> -> memref<10000x128xf32, #tpu.memory_space<hbm>>
        tpu.enqueue_indirect_dma source(%dma_start3A_80 : memref<10000x128xf32, #tpu.memory_space<hbm>>) target(%arg14 : memref<128x128xf32, #tpu.memory_space<vmem>>) offsets(%dma_start3A_77 : memref<128xi32, #tpu.memory_space<vmem>>) semaphore(%arg16 : memref<!tpu.dma_semaphore, #tpu.memory_space<semaphore_mem>>)
      } else {
      }
      %mul3A_57 = arith.constant 2 : i32
      %mul3A_58 = arith.muli %while3A_44, %mul3A_57 : i32
      %add3A_59 = arith.constant 1 : i32
      %add3A_60 = arith.addi %mul3A_58, %add3A_59 : i32
      %dma_wait3A_61 = arith.constant 0 : i32
      %dma_wait3A_62 = arith.constant 0 : i32
      %dma_wait3A_63 = tpu.memref_slice %arg5[%dma_wait3A_61, %dma_wait3A_62] : memref<10000x128xf32, #tpu.memory_space<hbm>> -> memref<128x128xf32, #tpu.memory_space<hbm>>
      %dma_wait3A_64 = arith.constant 0 : i32
      %dma_wait3A_65 = arith.constant 0 : i32
      %dma_wait3A_66 = tpu.memref_slice %arg5[%dma_wait3A_64, %dma_wait3A_65] : memref<10000x128xf32, #tpu.memory_space<hbm>> -> memref<128x128xf32, #tpu.memory_space<hbm>>
      tpu.wait_dma2 semaphore(%arg17 : memref<!tpu.dma_semaphore, #tpu.memory_space<semaphore_mem>>) src(%dma_wait3A_66 : memref<128x128xf32, #tpu.memory_space<hbm>>) dst(%arg15 : memref<128x128xf32, #tpu.memory_space<vmem>>)
      "tpu.region"() ({
        %run_scoped3A = tpu.sem_alloc : memref<!tpu.dma_semaphore, #tpu.memory_space<semaphore_mem>>
        %dma_start3A_73 = arith.constant 0 : i32
        %dma_start3A_74 = tpu.memref_slice %arg12[%add3A_60, %dma_start3A_73] : memref<158x128xi32, #tpu.memory_space<vmem>> -> memref<1x128xi32, #tpu.memory_space<vmem>>
        %dma_start3A_75 = tpu.memref_squeeze %dma_start3A_74 : memref<1x128xi32, #tpu.memory_space<vmem>> -> memref<128xi32, #tpu.memory_space<vmem>>
        %dma_start3A_76 = arith.constant 0 : i32
        %dma_start3A_77 = arith.constant 0 : i32
        %dma_start3A_78 = tpu.memref_slice %arg18[%dma_start3A_76, %dma_start3A_77] : memref<6144x128xf32, #tpu.memory_space<vmem_shared>> -> memref<6144x128xf32, #tpu.memory_space<vmem_shared>>
        tpu.enqueue_indirect_dma source(%arg15 : memref<128x128xf32, #tpu.memory_space<vmem>>) target(%dma_start3A_78 : memref<6144x128xf32, #tpu.memory_space<vmem_shared>>) offsets(%dma_start3A_75 : memref<128xi32, #tpu.memory_space<vmem>>) semaphore(%run_scoped3A : memref<!tpu.dma_semaphore, #tpu.memory_space<semaphore_mem>>) {add = true}
        %dma_wait3A_79 = arith.constant 0 : i32
        %dma_wait3A_80 = tpu.memref_slice %arg12[%add3A_60, %dma_wait3A_79] : memref<158x128xi32, #tpu.memory_space<vmem>> -> memref<1x128xi32, #tpu.memory_space<vmem>>
        %dma_wait3A_81 = tpu.memref_squeeze %dma_wait3A_80 : memref<1x128xi32, #tpu.memory_space<vmem>> -> memref<128xi32, #tpu.memory_space<vmem>>
        %dma_wait3A_82 = arith.constant 0 : i32
        %dma_wait3A_83 = arith.constant 0 : i32
        %dma_wait3A_84 = tpu.memref_slice %arg18[%dma_wait3A_82, %dma_wait3A_83] : memref<6144x128xf32, #tpu.memory_space<vmem_shared>> -> memref<6144x128xf32, #tpu.memory_space<vmem_shared>>
        tpu.wait_indirect_dma semaphore(%run_scoped3A : memref<!tpu.dma_semaphore, #tpu.memory_space<semaphore_mem>>) src(%arg15 : memref<128x128xf32, #tpu.memory_space<vmem>>) dst(%dma_wait3A_84 : memref<6144x128xf32, #tpu.memory_space<vmem_shared>>)
        tpu.yield
      }) : () -> ()
      "tpu.region"() ({
        %run_scoped3A = tpu.sem_alloc : memref<!tpu.dma_semaphore, #tpu.memory_space<semaphore_mem>>
        %dma_start3A_73 = arith.constant 0 : i32
        %dma_start3A_74 = tpu.memref_slice %arg12[%add3A_60, %dma_start3A_73] : memref<158x128xi32, #tpu.memory_space<vmem>> -> memref<1x128xi32, #tpu.memory_space<vmem>>
        %dma_start3A_75 = tpu.memref_squeeze %dma_start3A_74 : memref<1x128xi32, #tpu.memory_space<vmem>> -> memref<128xi32, #tpu.memory_space<vmem>>
        %dma_start3A_76 = arith.constant 0 : i32
        %dma_start3A_77 = tpu.memref_slice %arg20[%dma_start3A_76] : memref<6144xf32, #tpu.memory_space<vmem_shared>> -> memref<6144xf32, #tpu.memory_space<vmem_shared>>
        tpu.enqueue_indirect_dma source(%arg19 : memref<128xf32, #tpu.memory_space<vmem>>) target(%dma_start3A_77 : memref<6144xf32, #tpu.memory_space<vmem_shared>>) offsets(%dma_start3A_75 : memref<128xi32, #tpu.memory_space<vmem>>) semaphore(%run_scoped3A : memref<!tpu.dma_semaphore, #tpu.memory_space<semaphore_mem>>) {add = true}
        %dma_wait3A_78 = arith.constant 0 : i32
        %dma_wait3A_79 = tpu.memref_slice %arg12[%add3A_60, %dma_wait3A_78] : memref<158x128xi32, #tpu.memory_space<vmem>> -> memref<1x128xi32, #tpu.memory_space<vmem>>
        %dma_wait3A_80 = tpu.memref_squeeze %dma_wait3A_79 : memref<1x128xi32, #tpu.memory_space<vmem>> -> memref<128xi32, #tpu.memory_space<vmem>>
        %dma_wait3A_81 = arith.constant 0 : i32
        %dma_wait3A_82 = tpu.memref_slice %arg20[%dma_wait3A_81] : memref<6144xf32, #tpu.memory_space<vmem_shared>> -> memref<6144xf32, #tpu.memory_space<vmem_shared>>
        tpu.wait_indirect_dma semaphore(%run_scoped3A : memref<!tpu.dma_semaphore, #tpu.memory_space<semaphore_mem>>) src(%arg19 : memref<128xf32, #tpu.memory_space<vmem>>) dst(%dma_wait3A_82 : memref<6144xf32, #tpu.memory_space<vmem_shared>>)
        tpu.yield
      }) : () -> ()
      %add3A_67 = arith.constant 2 : i32
      %add3A_68 = arith.addi %add3A_60, %add3A_67 : i32
      %lt3A_69 = arith.cmpi slt, %add3A_68, %squeeze3A : i32
      %convert_element_type3A_70 = arith.extui %lt3A_69 : i1 to i32
      %cond3A_71 = arith.constant 0 : i32
      %cond3A_72 = arith.cmpi ne, %convert_element_type3A_70, %cond3A_71 : i32
      scf.if %cond3A_72 {
        %add3A_73 = arith.constant 2 : i32
        %add3A_74 = arith.addi %add3A_60, %add3A_73 : i32
        %dma_start3A_75 = arith.constant 0 : i32
        %dma_start3A_76 = tpu.memref_slice %arg11[%add3A_74, %dma_start3A_75] : memref<158x128xi32, #tpu.memory_space<vmem>> -> memref<1x128xi32, #tpu.memory_space<vmem>>
        %dma_start3A_77 = tpu.memref_squeeze %dma_start3A_76 : memref<1x128xi32, #tpu.memory_space<vmem>> -> memref<128xi32, #tpu.memory_space<vmem>>
        %dma_start3A_78 = arith.constant 0 : i32
        %dma_start3A_79 = arith.constant 0 : i32
        %dma_start3A_80 = tpu.memref_slice %arg5[%dma_start3A_78, %dma_start3A_79] : memref<10000x128xf32, #tpu.memory_space<hbm>> -> memref<10000x128xf32, #tpu.memory_space<hbm>>
        tpu.enqueue_indirect_dma source(%dma_start3A_80 : memref<10000x128xf32, #tpu.memory_space<hbm>>) target(%arg15 : memref<128x128xf32, #tpu.memory_space<vmem>>) offsets(%dma_start3A_77 : memref<128xi32, #tpu.memory_space<vmem>>) semaphore(%arg17 : memref<!tpu.dma_semaphore, #tpu.memory_space<semaphore_mem>>)
      } else {
      }
    }
    %while3A_42 = arith.constant 1 : i32
    scf.for %while3A_44 = %while3A_40 to %while3A_36 step %while3A_42  : i32 {
      %mul3A_45 = arith.constant 2 : i32
      %mul3A_46 = arith.muli %while3A_44, %mul3A_45 : i32
      %add3A_47 = arith.constant 0 : i32
      %add3A_48 = arith.addi %mul3A_46, %add3A_47 : i32
      %dma_wait3A = arith.constant 0 : i32
      %dma_wait3A_49 = arith.constant 0 : i32
      %dma_wait3A_50 = tpu.memref_slice %arg5[%dma_wait3A, %dma_wait3A_49] : memref<10000x128xf32, #tpu.memory_space<hbm>> -> memref<128x128xf32, #tpu.memory_space<hbm>>
      %dma_wait3A_51 = arith.constant 0 : i32
      %dma_wait3A_52 = arith.constant 0 : i32
      %dma_wait3A_53 = tpu.memref_slice %arg5[%dma_wait3A_51, %dma_wait3A_52] : memref<10000x128xf32, #tpu.memory_space<hbm>> -> memref<128x128xf32, #tpu.memory_space<hbm>>
      tpu.wait_dma2 semaphore(%arg16 : memref<!tpu.dma_semaphore, #tpu.memory_space<semaphore_mem>>) src(%dma_wait3A_53 : memref<128x128xf32, #tpu.memory_space<hbm>>) dst(%arg14 : memref<128x128xf32, #tpu.memory_space<vmem>>)
      "tpu.region"() ({
        %run_scoped3A = tpu.sem_alloc : memref<!tpu.dma_semaphore, #tpu.memory_space<semaphore_mem>>
        %dma_start3A_73 = arith.constant 0 : i32
        %dma_start3A_74 = tpu.memref_slice %arg12[%add3A_48, %dma_start3A_73] : memref<158x128xi32, #tpu.memory_space<vmem>> -> memref<1x128xi32, #tpu.memory_space<vmem>>
        %dma_start3A_75 = tpu.memref_squeeze %dma_start3A_74 : memref<1x128xi32, #tpu.memory_space<vmem>> -> memref<128xi32, #tpu.memory_space<vmem>>
        %dma_start3A_76 = arith.constant 0 : i32
        %dma_start3A_77 = arith.constant 0 : i32
        %dma_start3A_78 = tpu.memref_slice %arg18[%dma_start3A_76, %dma_start3A_77] : memref<6144x128xf32, #tpu.memory_space<vmem_shared>> -> memref<6144x128xf32, #tpu.memory_space<vmem_shared>>
        tpu.enqueue_indirect_dma source(%arg14 : memref<128x128xf32, #tpu.memory_space<vmem>>) target(%dma_start3A_78 : memref<6144x128xf32, #tpu.memory_space<vmem_shared>>) offsets(%dma_start3A_75 : memref<128xi32, #tpu.memory_space<vmem>>) semaphore(%run_scoped3A : memref<!tpu.dma_semaphore, #tpu.memory_space<semaphore_mem>>) {add = true}
        %dma_wait3A_79 = arith.constant 0 : i32
        %dma_wait3A_80 = tpu.memref_slice %arg12[%add3A_48, %dma_wait3A_79] : memref<158x128xi32, #tpu.memory_space<vmem>> -> memref<1x128xi32, #tpu.memory_space<vmem>>
        %dma_wait3A_81 = tpu.memref_squeeze %dma_wait3A_80 : memref<1x128xi32, #tpu.memory_space<vmem>> -> memref<128xi32, #tpu.memory_space<vmem>>
        %dma_wait3A_82 = arith.constant 0 : i32
        %dma_wait3A_83 = arith.constant 0 : i32
        %dma_wait3A_84 = tpu.memref_slice %arg18[%dma_wait3A_82, %dma_wait3A_83] : memref<6144x128xf32, #tpu.memory_space<vmem_shared>> -> memref<6144x128xf32, #tpu.memory_space<vmem_shared>>
        tpu.wait_indirect_dma semaphore(%run_scoped3A : memref<!tpu.dma_semaphore, #tpu.memory_space<semaphore_mem>>) src(%arg14 : memref<128x128xf32, #tpu.memory_space<vmem>>) dst(%dma_wait3A_84 : memref<6144x128xf32, #tpu.memory_space<vmem_shared>>)
        tpu.yield
      }) : () -> ()
      "tpu.region"() ({
        %run_scoped3A = tpu.sem_alloc : memref<!tpu.dma_semaphore, #tpu.memory_space<semaphore_mem>>
        %dma_start3A_73 = arith.constant 0 : i32
        %dma_start3A_74 = tpu.memref_slice %arg12[%add3A_48, %dma_start3A_73] : memref<158x128xi32, #tpu.memory_space<vmem>> -> memref<1x128xi32, #tpu.memory_space<vmem>>
        %dma_start3A_75 = tpu.memref_squeeze %dma_start3A_74 : memref<1x128xi32, #tpu.memory_space<vmem>> -> memref<128xi32, #tpu.memory_space<vmem>>
        %dma_start3A_76 = arith.constant 0 : i32
        %dma_start3A_77 = tpu.memref_slice %arg20[%dma_start3A_76] : memref<6144xf32, #tpu.memory_space<vmem_shared>> -> memref<6144xf32, #tpu.memory_space<vmem_shared>>
        tpu.enqueue_indirect_dma source(%arg19 : memref<128xf32, #tpu.memory_space<vmem>>) target(%dma_start3A_77 : memref<6144xf32, #tpu.memory_space<vmem_shared>>) offsets(%dma_start3A_75 : memref<128xi32, #tpu.memory_space<vmem>>) semaphore(%run_scoped3A : memref<!tpu.dma_semaphore, #tpu.memory_space<semaphore_mem>>) {add = true}
        %dma_wait3A_78 = arith.constant 0 : i32
        %dma_wait3A_79 = tpu.memref_slice %arg12[%add3A_48, %dma_wait3A_78] : memref<158x128xi32, #tpu.memory_space<vmem>> -> memref<1x128xi32, #tpu.memory_space<vmem>>
        %dma_wait3A_80 = tpu.memref_squeeze %dma_wait3A_79 : memref<1x128xi32, #tpu.memory_space<vmem>> -> memref<128xi32, #tpu.memory_space<vmem>>
        %dma_wait3A_81 = arith.constant 0 : i32
        %dma_wait3A_82 = tpu.memref_slice %arg20[%dma_wait3A_81] : memref<6144xf32, #tpu.memory_space<vmem_shared>> -> memref<6144xf32, #tpu.memory_space<vmem_shared>>
        tpu.wait_indirect_dma semaphore(%run_scoped3A : memref<!tpu.dma_semaphore, #tpu.memory_space<semaphore_mem>>) src(%arg19 : memref<128xf32, #tpu.memory_space<vmem>>) dst(%dma_wait3A_82 : memref<6144xf32, #tpu.memory_space<vmem_shared>>)
        tpu.yield
      }) : () -> ()
      %add3A_54 = arith.constant 2 : i32
      %add3A_55 = arith.addi %add3A_48, %add3A_54 : i32
      %lt3A = arith.cmpi slt, %add3A_55, %squeeze3A : i32
      %convert_element_type3A = arith.extui %lt3A : i1 to i32
      %cond3A = arith.constant 0 : i32
      %cond3A_56 = arith.cmpi ne, %convert_element_type3A, %cond3A : i32
      scf.if %cond3A_56 {
        %add3A_73 = arith.constant 2 : i32
        %add3A_74 = arith.addi %add3A_48, %add3A_73 : i32
        %dma_start3A_75 = arith.constant 0 : i32
        %dma_start3A_76 = tpu.memref_slice %arg11[%add3A_74, %dma_start3A_75] : memref<158x128xi32, #tpu.memory_space<vmem>> -> memref<1x128xi32, #tpu.memory_space<vmem>>
        %dma_start3A_77 = tpu.memref_squeeze %dma_start3A_76 : memref<1x128xi32, #tpu.memory_space<vmem>> -> memref<128xi32, #tpu.memory_space<vmem>>
        %dma_start3A_78 = arith.constant 0 : i32
        %dma_start3A_79 = arith.constant 0 : i32
        %dma_start3A_80 = tpu.memref_slice %arg5[%dma_start3A_78, %dma_start3A_79] : memref<10000x128xf32, #tpu.memory_space<hbm>> -> memref<10000x128xf32, #tpu.memory_space<hbm>>
        tpu.enqueue_indirect_dma source(%dma_start3A_80 : memref<10000x128xf32, #tpu.memory_space<hbm>>) target(%arg14 : memref<128x128xf32, #tpu.memory_space<vmem>>) offsets(%dma_start3A_77 : memref<128xi32, #tpu.memory_space<vmem>>) semaphore(%arg16 : memref<!tpu.dma_semaphore, #tpu.memory_space<semaphore_mem>>)
      } else {
      }
      %mul3A_57 = arith.constant 2 : i32
      %mul3A_58 = arith.muli %while3A_44, %mul3A_57 : i32
      %add3A_59 = arith.constant 1 : i32
      %add3A_60 = arith.addi %mul3A_58, %add3A_59 : i32
      %dma_wait3A_61 = arith.constant 0 : i32
      %dma_wait3A_62 = arith.constant 0 : i32
      %dma_wait3A_63 = tpu.memref_slice %arg5[%dma_wait3A_61, %dma_wait3A_62] : memref<10000x128xf32, #tpu.memory_space<hbm>> -> memref<128x128xf32, #tpu.memory_space<hbm>>
      %dma_wait3A_64 = arith.constant 0 : i32
      %dma_wait3A_65 = arith.constant 0 : i32
      %dma_wait3A_66 = tpu.memref_slice %arg5[%dma_wait3A_64, %dma_wait3A_65] : memref<10000x128xf32, #tpu.memory_space<hbm>> -> memref<128x128xf32, #tpu.memory_space<hbm>>
      tpu.wait_dma2 semaphore(%arg17 : memref<!tpu.dma_semaphore, #tpu.memory_space<semaphore_mem>>) src(%dma_wait3A_66 : memref<128x128xf32, #tpu.memory_space<hbm>>) dst(%arg15 : memref<128x128xf32, #tpu.memory_space<vmem>>)
      "tpu.region"() ({
        %run_scoped3A = tpu.sem_alloc : memref<!tpu.dma_semaphore, #tpu.memory_space<semaphore_mem>>
        %dma_start3A_73 = arith.constant 0 : i32
        %dma_start3A_74 = tpu.memref_slice %arg12[%add3A_60, %dma_start3A_73] : memref<158x128xi32, #tpu.memory_space<vmem>> -> memref<1x128xi32, #tpu.memory_space<vmem>>
        %dma_start3A_75 = tpu.memref_squeeze %dma_start3A_74 : memref<1x128xi32, #tpu.memory_space<vmem>> -> memref<128xi32, #tpu.memory_space<vmem>>
        %dma_start3A_76 = arith.constant 0 : i32
        %dma_start3A_77 = arith.constant 0 : i32
        %dma_start3A_78 = tpu.memref_slice %arg18[%dma_start3A_76, %dma_start3A_77] : memref<6144x128xf32, #tpu.memory_space<vmem_shared>> -> memref<6144x128xf32, #tpu.memory_space<vmem_shared>>
        tpu.enqueue_indirect_dma source(%arg15 : memref<128x128xf32, #tpu.memory_space<vmem>>) target(%dma_start3A_78 : memref<6144x128xf32, #tpu.memory_space<vmem_shared>>) offsets(%dma_start3A_75 : memref<128xi32, #tpu.memory_space<vmem>>) semaphore(%run_scoped3A : memref<!tpu.dma_semaphore, #tpu.memory_space<semaphore_mem>>) {add = true}
        %dma_wait3A_79 = arith.constant 0 : i32
        %dma_wait3A_80 = tpu.memref_slice %arg12[%add3A_60, %dma_wait3A_79] : memref<158x128xi32, #tpu.memory_space<vmem>> -> memref<1x128xi32, #tpu.memory_space<vmem>>
        %dma_wait3A_81 = tpu.memref_squeeze %dma_wait3A_80 : memref<1x128xi32, #tpu.memory_space<vmem>> -> memref<128xi32, #tpu.memory_space<vmem>>
        %dma_wait3A_82 = arith.constant 0 : i32
        %dma_wait3A_83 = arith.constant 0 : i32
        %dma_wait3A_84 = tpu.memref_slice %arg18[%dma_wait3A_82, %dma_wait3A_83] : memref<6144x128xf32, #tpu.memory_space<vmem_shared>> -> memref<6144x128xf32, #tpu.memory_space<vmem_shared>>
        tpu.wait_indirect_dma semaphore(%run_scoped3A : memref<!tpu.dma_semaphore, #tpu.memory_space<semaphore_mem>>) src(%arg15 : memref<128x128xf32, #tpu.memory_space<vmem>>) dst(%dma_wait3A_84 : memref<6144x128xf32, #tpu.memory_space<vmem_shared>>)
        tpu.yield
      }) : () -> ()
      "tpu.region"() ({
        %run_scoped3A = tpu.sem_alloc : memref<!tpu.dma_semaphore, #tpu.memory_space<semaphore_mem>>
        %dma_start3A_73 = arith.constant 0 : i32
        %dma_start3A_74 = tpu.memref_slice %arg12[%add3A_60, %dma_start3A_73] : memref<158x128xi32, #tpu.memory_space<vmem>> -> memref<1x128xi32, #tpu.memory_space<vmem>>
        %dma_start3A_75 = tpu.memref_squeeze %dma_start3A_74 : memref<1x128xi32, #tpu.memory_space<vmem>> -> memref<128xi32, #tpu.memory_space<vmem>>
        %dma_start3A_76 = arith.constant 0 : i32
        %dma_start3A_77 = tpu.memref_slice %arg20[%dma_start3A_76] : memref<6144xf32, #tpu.memory_space<vmem_shared>> -> memref<6144xf32, #tpu.memory_space<vmem_shared>>
        tpu.enqueue_indirect_dma source(%arg19 : memref<128xf32, #tpu.memory_space<vmem>>) target(%dma_start3A_77 : memref<6144xf32, #tpu.memory_space<vmem_shared>>) offsets(%dma_start3A_75 : memref<128xi32, #tpu.memory_space<vmem>>) semaphore(%run_scoped3A : memref<!tpu.dma_semaphore, #tpu.memory_space<semaphore_mem>>) {add = true}
        %dma_wait3A_78 = arith.constant 0 : i32
        %dma_wait3A_79 = tpu.memref_slice %arg12[%add3A_60, %dma_wait3A_78] : memref<158x128xi32, #tpu.memory_space<vmem>> -> memref<1x128xi32, #tpu.memory_space<vmem>>
        %dma_wait3A_80 = tpu.memref_squeeze %dma_wait3A_79 : memref<1x128xi32, #tpu.memory_space<vmem>> -> memref<128xi32, #tpu.memory_space<vmem>>
        %dma_wait3A_81 = arith.constant 0 : i32
        %dma_wait3A_82 = tpu.memref_slice %arg20[%dma_wait3A_81] : memref<6144xf32, #tpu.memory_space<vmem_shared>> -> memref<6144xf32, #tpu.memory_space<vmem_shared>>
        tpu.wait_indirect_dma semaphore(%run_scoped3A : memref<!tpu.dma_semaphore, #tpu.memory_space<semaphore_mem>>) src(%arg19 : memref<128xf32, #tpu.memory_space<vmem>>) dst(%dma_wait3A_82 : memref<6144xf32, #tpu.memory_space<vmem_shared>>)
        tpu.yield
      }) : () -> ()
      %add3A_67 = arith.constant 2 : i32
      %add3A_68 = arith.addi %add3A_60, %add3A_67 : i32
      %lt3A_69 = arith.cmpi slt, %add3A_68, %squeeze3A : i32
      %convert_element_type3A_70 = arith.extui %lt3A_69 : i1 to i32
      %cond3A_71 = arith.constant 0 : i32
      %cond3A_72 = arith.cmpi ne, %convert_element_type3A_70, %cond3A_71 : i32
      scf.if %cond3A_72 {
        %add3A_73 = arith.constant 2 : i32
        %add3A_74 = arith.addi %add3A_60, %add3A_73 : i32
        %dma_start3A_75 = arith.constant 0 : i32
        %dma_start3A_76 = tpu.memref_slice %arg11[%add3A_74, %dma_start3A_75] : memref<158x128xi32, #tpu.memory_space<vmem>> -> memref<1x128xi32, #tpu.memory_space<vmem>>
        %dma_start3A_77 = tpu.memref_squeeze %dma_start3A_76 : memref<1x128xi32, #tpu.memory_space<vmem>> -> memref<128xi32, #tpu.memory_space<vmem>>
        %dma_start3A_78 = arith.constant 0 : i32
        %dma_start3A_79 = arith.constant 0 : i32
        %dma_start3A_80 = tpu.memref_slice %arg5[%dma_start3A_78, %dma_start3A_79] : memref<10000x128xf32, #tpu.memory_space<hbm>> -> memref<10000x128xf32, #tpu.memory_space<hbm>>
        tpu.enqueue_indirect_dma source(%dma_start3A_80 : memref<10000x128xf32, #tpu.memory_space<hbm>>) target(%arg15 : memref<128x128xf32, #tpu.memory_space<vmem>>) offsets(%dma_start3A_77 : memref<128xi32, #tpu.memory_space<vmem>>) semaphore(%arg17 : memref<!tpu.dma_semaphore, #tpu.memory_space<semaphore_mem>>)
      } else {
      }
    }
    %barrier3A_43 = arith.constant 0 : index
    tpu.barrier barrier_id(%barrier3A_43)
    "tpu.region"() ({
      %run_scoped3A = tpu.sem_alloc : memref<!tpu.dma_semaphore, #tpu.memory_space<semaphore_mem>>
      %dma_start3A_44 = arith.constant 0 : i32
      %dma_start3A_45 = arith.constant 0 : i32
      %dma_start3A_46 = tpu.memref_slice %arg9[%arg0, %dma_start3A_44, %dma_start3A_45] : memref<2x6144x128xf32, #tpu.memory_space<hbm>> -> memref<1x6144x128xf32, #tpu.memory_space<hbm>>
      %dma_start3A_47 = tpu.memref_squeeze %dma_start3A_46 : memref<1x6144x128xf32, #tpu.memory_space<hbm>> -> memref<6144x128xf32, #tpu.memory_space<hbm>>
      %dma_start3A_48 = arith.constant 0 : i32
      %dma_start3A_49 = tpu.memref_slice %dma_start3A_47[%mul3A_2, %dma_start3A_48] : memref<6144x128xf32, #tpu.memory_space<hbm>> -> memref<384x128xf32, #tpu.memory_space<hbm>>
      %dma_start3A_50 = arith.constant 0 : i32
      %dma_start3A_51 = tpu.memref_slice %arg18[%mul3A_2, %dma_start3A_50] : memref<6144x128xf32, #tpu.memory_space<vmem_shared>> -> memref<384x128xf32, #tpu.memory_space<vmem_shared>>
      tpu.enqueue_dma source(%dma_start3A_51 : memref<384x128xf32, #tpu.memory_space<vmem_shared>>) target(%dma_start3A_49 : memref<384x128xf32, #tpu.memory_space<hbm>>) target_semaphore(%run_scoped3A : memref<!tpu.dma_semaphore, #tpu.memory_space<semaphore_mem>>)
      %dma_wait3A = arith.constant 0 : i32
      %dma_wait3A_52 = arith.constant 0 : i32
      %dma_wait3A_53 = tpu.memref_slice %arg9[%arg0, %dma_wait3A, %dma_wait3A_52] : memref<2x6144x128xf32, #tpu.memory_space<hbm>> -> memref<1x6144x128xf32, #tpu.memory_space<hbm>>
      %dma_wait3A_54 = tpu.memref_squeeze %dma_wait3A_53 : memref<1x6144x128xf32, #tpu.memory_space<hbm>> -> memref<6144x128xf32, #tpu.memory_space<hbm>>
      %dma_wait3A_55 = arith.constant 0 : i32
      %dma_wait3A_56 = tpu.memref_slice %dma_wait3A_54[%mul3A_2, %dma_wait3A_55] : memref<6144x128xf32, #tpu.memory_space<hbm>> -> memref<384x128xf32, #tpu.memory_space<hbm>>
      %dma_wait3A_57 = arith.constant 0 : i32
      %dma_wait3A_58 = tpu.memref_slice %arg18[%mul3A_2, %dma_wait3A_57] : memref<6144x128xf32, #tpu.memory_space<vmem_shared>> -> memref<384x128xf32, #tpu.memory_space<vmem_shared>>
      tpu.wait_dma2 semaphore(%run_scoped3A : memref<!tpu.dma_semaphore, #tpu.memory_space<semaphore_mem>>) src(%dma_wait3A_58 : memref<384x128xf32, #tpu.memory_space<vmem_shared>>) dst(%dma_wait3A_56 : memref<384x128xf32, #tpu.memory_space<hbm>>)
      tpu.yield
    }) : () -> ()
    "tpu.region"() ({
      %run_scoped3A = tpu.sem_alloc : memref<!tpu.dma_semaphore, #tpu.memory_space<semaphore_mem>>
      %dma_start3A_44 = arith.constant 0 : i32
      %dma_start3A_45 = tpu.memref_slice %arg10[%arg0, %dma_start3A_44] : memref<2x6144xf32, #tpu.memory_space<hbm>> -> memref<1x6144xf32, #tpu.memory_space<hbm>>
      %dma_start3A_46 = tpu.memref_squeeze %dma_start3A_45 : memref<1x6144xf32, #tpu.memory_space<hbm>> -> memref<6144xf32, #tpu.memory_space<hbm>>
      %dma_start3A_47 = tpu.memref_slice %dma_start3A_46[%mul3A_2] : memref<6144xf32, #tpu.memory_space<hbm>> -> memref<384xf32, #tpu.memory_space<hbm>>
      %dma_start3A_48 = tpu.memref_slice %arg20[%mul3A_2] : memref<6144xf32, #tpu.memory_space<vmem_shared>> -> memref<384xf32, #tpu.memory_space<vmem_shared>>
      tpu.enqueue_dma source(%dma_start3A_48 : memref<384xf32, #tpu.memory_space<vmem_shared>>) target(%dma_start3A_47 : memref<384xf32, #tpu.memory_space<hbm>>) target_semaphore(%run_scoped3A : memref<!tpu.dma_semaphore, #tpu.memory_space<semaphore_mem>>)
      %dma_wait3A = arith.constant 0 : i32
      %dma_wait3A_49 = tpu.memref_slice %arg10[%arg0, %dma_wait3A] : memref<2x6144xf32, #tpu.memory_space<hbm>> -> memref<1x6144xf32, #tpu.memory_space<hbm>>
      %dma_wait3A_50 = tpu.memref_squeeze %dma_wait3A_49 : memref<1x6144xf32, #tpu.memory_space<hbm>> -> memref<6144xf32, #tpu.memory_space<hbm>>
      %dma_wait3A_51 = tpu.memref_slice %dma_wait3A_50[%mul3A_2] : memref<6144xf32, #tpu.memory_space<hbm>> -> memref<384xf32, #tpu.memory_space<hbm>>
      %dma_wait3A_52 = tpu.memref_slice %arg20[%mul3A_2] : memref<6144xf32, #tpu.memory_space<vmem_shared>> -> memref<384xf32, #tpu.memory_space<vmem_shared>>
      tpu.wait_dma2 semaphore(%run_scoped3A : memref<!tpu.dma_semaphore, #tpu.memory_space<semaphore_mem>>) src(%dma_wait3A_52 : memref<384xf32, #tpu.memory_space<vmem_shared>>) dst(%dma_wait3A_51 : memref<384xf32, #tpu.memory_space<hbm>>)
      tpu.yield
    }) : () -> ()
    return
  }
}

#map = affine_map<(d0, d1) -> (0, 0, 0)>
#map1 = affine_map<(d0, d1) -> (0, 0)>
module attributes {stable_mosaic.version = 14 : i64} {
  func.func @k(%arg0: i32, %arg1: i32, %arg2: memref<16x1x20000xi32, #tpu.memory_space<hbm>>, %arg3: memref<16x1x20000xi32, #tpu.memory_space<hbm>>, %arg4: memref<32x158x128xi32, #tpu.memory_space<hbm>>, %arg5: memref<32x158x128xi32, #tpu.memory_space<hbm>>, %arg6: memref<32x16xi32, #tpu.memory_space<hbm>>, %arg7: memref<1x20000xi32, #tpu.memory_space<vmem>>, %arg8: memref<1x20000xi32, #tpu.memory_space<vmem>>, %arg9: memref<1x20224xi32, #tpu.memory_space<vmem>>, %arg10: memref<1x20224xi32, #tpu.memory_space<vmem>>, %arg11: memref<16xi32, #tpu.memory_space<vmem>>) attributes {dimension_semantics = [#tpu.dimension_semantics<core_parallel>, #tpu.dimension_semantics<subcore_parallel>], iteration_bounds = array<i64: 2, 16>, scalar_prefetch = 0 : i64, scratch_operands = 5 : i64, tpu.core_type = #tpu.core_type<sc_vector_subcore>, window_params = [{transform_indices = #map}, {transform_indices = #map}, {transform_indices = #map}, {transform_indices = #map}, {transform_indices = #map1}]} {
    %mul3A = arith.constant 16 : i32
    %mul3A_0 = arith.muli %arg0, %mul3A : i32
    %add3A = arith.addi %mul3A_0, %arg1 : i32
    %mul3A_1 = arith.constant 5000 : i32
    %mul3A_2 = arith.muli %arg0, %mul3A_1 : i32
    "tpu.region"() ({
      %run_scoped3A = tpu.sem_alloc : memref<!tpu.dma_semaphore, #tpu.memory_space<semaphore_mem>>
      %dma_start3A = arith.constant 0 : i32
      %dma_start3A_60 = arith.constant 0 : i32
      %dma_start3A_61 = tpu.memref_slice %arg2[%arg1, %dma_start3A, %dma_start3A_60] : memref<16x1x20000xi32, #tpu.memory_space<hbm>> -> memref<1x1x20000xi32, #tpu.memory_space<hbm>>
      %dma_start3A_62 = tpu.memref_squeeze %dma_start3A_61 : memref<1x1x20000xi32, #tpu.memory_space<hbm>> -> memref<1x20000xi32, #tpu.memory_space<hbm>>
      %dma_start3A_63 = arith.constant 0 : i32
      %dma_start3A_64 = arith.constant 0 : i32
      %dma_start3A_65 = tpu.memref_slice %arg2[%arg1, %dma_start3A_63, %dma_start3A_64] : memref<16x1x20000xi32, #tpu.memory_space<hbm>> -> memref<1x1x20000xi32, #tpu.memory_space<hbm>>
      %dma_start3A_66 = tpu.memref_squeeze %dma_start3A_65 : memref<1x1x20000xi32, #tpu.memory_space<hbm>> -> memref<1x20000xi32, #tpu.memory_space<hbm>>
      tpu.enqueue_dma source(%dma_start3A_66 : memref<1x20000xi32, #tpu.memory_space<hbm>>) target(%arg7 : memref<1x20000xi32, #tpu.memory_space<vmem>>) target_semaphore(%run_scoped3A : memref<!tpu.dma_semaphore, #tpu.memory_space<semaphore_mem>>)
      %dma_wait3A = arith.constant 0 : i32
      %dma_wait3A_67 = arith.constant 0 : i32
      %dma_wait3A_68 = tpu.memref_slice %arg2[%arg1, %dma_wait3A, %dma_wait3A_67] : memref<16x1x20000xi32, #tpu.memory_space<hbm>> -> memref<1x1x20000xi32, #tpu.memory_space<hbm>>
      %dma_wait3A_69 = tpu.memref_squeeze %dma_wait3A_68 : memref<1x1x20000xi32, #tpu.memory_space<hbm>> -> memref<1x20000xi32, #tpu.memory_space<hbm>>
      %dma_wait3A_70 = arith.constant 0 : i32
      %dma_wait3A_71 = arith.constant 0 : i32
      %dma_wait3A_72 = tpu.memref_slice %arg2[%arg1, %dma_wait3A_70, %dma_wait3A_71] : memref<16x1x20000xi32, #tpu.memory_space<hbm>> -> memref<1x1x20000xi32, #tpu.memory_space<hbm>>
      %dma_wait3A_73 = tpu.memref_squeeze %dma_wait3A_72 : memref<1x1x20000xi32, #tpu.memory_space<hbm>> -> memref<1x20000xi32, #tpu.memory_space<hbm>>
      tpu.wait_dma2 semaphore(%run_scoped3A : memref<!tpu.dma_semaphore, #tpu.memory_space<semaphore_mem>>) src(%dma_wait3A_73 : memref<1x20000xi32, #tpu.memory_space<hbm>>) dst(%arg7 : memref<1x20000xi32, #tpu.memory_space<vmem>>)
      tpu.yield
    }) : () -> ()
    "tpu.region"() ({
      %run_scoped3A = tpu.sem_alloc : memref<!tpu.dma_semaphore, #tpu.memory_space<semaphore_mem>>
      %dma_start3A = arith.constant 0 : i32
      %dma_start3A_60 = arith.constant 0 : i32
      %dma_start3A_61 = tpu.memref_slice %arg3[%arg1, %dma_start3A, %dma_start3A_60] : memref<16x1x20000xi32, #tpu.memory_space<hbm>> -> memref<1x1x20000xi32, #tpu.memory_space<hbm>>
      %dma_start3A_62 = tpu.memref_squeeze %dma_start3A_61 : memref<1x1x20000xi32, #tpu.memory_space<hbm>> -> memref<1x20000xi32, #tpu.memory_space<hbm>>
      %dma_start3A_63 = arith.constant 0 : i32
      %dma_start3A_64 = arith.constant 0 : i32
      %dma_start3A_65 = tpu.memref_slice %arg3[%arg1, %dma_start3A_63, %dma_start3A_64] : memref<16x1x20000xi32, #tpu.memory_space<hbm>> -> memref<1x1x20000xi32, #tpu.memory_space<hbm>>
      %dma_start3A_66 = tpu.memref_squeeze %dma_start3A_65 : memref<1x1x20000xi32, #tpu.memory_space<hbm>> -> memref<1x20000xi32, #tpu.memory_space<hbm>>
      tpu.enqueue_dma source(%dma_start3A_66 : memref<1x20000xi32, #tpu.memory_space<hbm>>) target(%arg8 : memref<1x20000xi32, #tpu.memory_space<vmem>>) target_semaphore(%run_scoped3A : memref<!tpu.dma_semaphore, #tpu.memory_space<semaphore_mem>>)
      %dma_wait3A = arith.constant 0 : i32
      %dma_wait3A_67 = arith.constant 0 : i32
      %dma_wait3A_68 = tpu.memref_slice %arg3[%arg1, %dma_wait3A, %dma_wait3A_67] : memref<16x1x20000xi32, #tpu.memory_space<hbm>> -> memref<1x1x20000xi32, #tpu.memory_space<hbm>>
      %dma_wait3A_69 = tpu.memref_squeeze %dma_wait3A_68 : memref<1x1x20000xi32, #tpu.memory_space<hbm>> -> memref<1x20000xi32, #tpu.memory_space<hbm>>
      %dma_wait3A_70 = arith.constant 0 : i32
      %dma_wait3A_71 = arith.constant 0 : i32
      %dma_wait3A_72 = tpu.memref_slice %arg3[%arg1, %dma_wait3A_70, %dma_wait3A_71] : memref<16x1x20000xi32, #tpu.memory_space<hbm>> -> memref<1x1x20000xi32, #tpu.memory_space<hbm>>
      %dma_wait3A_73 = tpu.memref_squeeze %dma_wait3A_72 : memref<1x1x20000xi32, #tpu.memory_space<hbm>> -> memref<1x20000xi32, #tpu.memory_space<hbm>>
      tpu.wait_dma2 semaphore(%run_scoped3A : memref<!tpu.dma_semaphore, #tpu.memory_space<semaphore_mem>>) src(%dma_wait3A_73 : memref<1x20000xi32, #tpu.memory_space<hbm>>) dst(%arg8 : memref<1x20000xi32, #tpu.memory_space<vmem>>)
      tpu.yield
    }) : () -> ()
    %parallel_loop3A = arith.constant 0 : i32
    %parallel_loop3A_3 = arith.constant 1250 : i32
    %parallel_loop3A_4 = arith.constant 1 : i32
    %parallel_loop3A_5 = arith.constant 0 : i32
    %parallel_loop3A_6 = scf.for %parallel_loop3A_60 = %parallel_loop3A to %parallel_loop3A_3 step %parallel_loop3A_4 iter_args(%parallel_loop3A_61 = %parallel_loop3A_5) -> (i32)  : i32 {
      %parallel_loop3A_62 = arith.constant 16 : i32
      %parallel_loop3A_63 = arith.muli %parallel_loop3A_60, %parallel_loop3A_62 : i32
      %parallel_loop3A_64 = arith.constant 0 : i32
      %parallel_loop3A_65 = arith.index_cast %parallel_loop3A_64 : i32 to index
      %parallel_loop3A_66 = arith.index_cast %parallel_loop3A_63 : i32 to index
      %parallel_loop3A_67 = tpu.vector_load %arg8[%parallel_loop3A_65, %parallel_loop3A_66] {strides = array<i32>} : memref<1x20000xi32, #tpu.memory_space<vmem>>, vector<16xi32>,
      %parallel_loop3A_68 = arith.constant 0 : i32
      %parallel_loop3A_69 = arith.index_cast %parallel_loop3A_68 : i32 to index
      %parallel_loop3A_70 = arith.index_cast %parallel_loop3A_63 : i32 to index
      %parallel_loop3A_71 = tpu.vector_load %arg7[%parallel_loop3A_69, %parallel_loop3A_70] {strides = array<i32>} : memref<1x20000xi32, #tpu.memory_space<vmem>>, vector<16xi32>,
      %parallel_loop3A_72 = vector.broadcast %mul3A_2 : i32 to vector<16xi32>
      %parallel_loop3A_73 = arith.cmpi sge, %parallel_loop3A_67, %parallel_loop3A_72 : vector<16xi32>
      %parallel_loop3A_74 = arith.constant 5000 : i32
      %parallel_loop3A_75 = arith.addi %mul3A_2, %parallel_loop3A_74 : i32
      %parallel_loop3A_76 = vector.broadcast %parallel_loop3A_75 : i32 to vector<16xi32>
      %parallel_loop3A_77 = arith.cmpi slt, %parallel_loop3A_67, %parallel_loop3A_76 : vector<16xi32>
      %parallel_loop3A_78 = arith.andi %parallel_loop3A_73, %parallel_loop3A_77 : vector<16xi1>
      %parallel_loop3A_79 = arith.extui %parallel_loop3A_78 : vector<16xi1> to vector<16xi32>
      %parallel_loop3A_80 = arith.constant true
      %parallel_loop3A_81 = vector.broadcast %parallel_loop3A_80 : i1 to vector<16xi1>
      %parallel_loop3A_82 = tpu.scan <sum>, %parallel_loop3A_79 masked %parallel_loop3A_81 : vector<16xi32>, vector<16xi1> -> vector<16xi32>
      %parallel_loop3A_83 = arith.subi %parallel_loop3A_82, %parallel_loop3A_79 : vector<16xi32>
      %parallel_loop3A_84 = vector.broadcast %parallel_loop3A_61 : i32 to vector<16xi32>
      %parallel_loop3A_85 = arith.addi %parallel_loop3A_84, %parallel_loop3A_83 : vector<16xi32>
      %parallel_loop3A_86 = arith.constant 20223 : i32
      %parallel_loop3A_87 = vector.broadcast %parallel_loop3A_86 : i32 to vector<16xi32>
      %parallel_loop3A_88 = arith.select %parallel_loop3A_78, %parallel_loop3A_85, %parallel_loop3A_87 : vector<16xi1>, vector<16xi32>
      %parallel_loop3A_89 = vector.broadcast %mul3A_2 : i32 to vector<16xi32>
      %parallel_loop3A_90 = arith.subi %parallel_loop3A_67, %parallel_loop3A_89 : vector<16xi32>
      %parallel_loop3A_91 = arith.constant 0 : i32
      %parallel_loop3A_92 = arith.constant 0 : i32
      %parallel_loop3A_93 = tpu.memref_slice %arg10[%parallel_loop3A_91, %parallel_loop3A_92] : memref<1x20224xi32, #tpu.memory_space<vmem>> -> memref<1x20224xi32, #tpu.memory_space<vmem>>
      %parallel_loop3A_94 = tpu.memref_squeeze %parallel_loop3A_93 : memref<1x20224xi32, #tpu.memory_space<vmem>> -> memref<20224xi32, #tpu.memory_space<vmem>>
      tpu.vector_store_idx %parallel_loop3A_94[%parallel_loop3A_88], %parallel_loop3A_90 : memref<20224xi32, #tpu.memory_space<vmem>>[vector<16xi32>], vector<16xi32>,
      %parallel_loop3A_95 = arith.constant 0 : i32
      %parallel_loop3A_96 = arith.constant 0 : i32
      %parallel_loop3A_97 = tpu.memref_slice %arg9[%parallel_loop3A_95, %parallel_loop3A_96] : memref<1x20224xi32, #tpu.memory_space<vmem>> -> memref<1x20224xi32, #tpu.memory_space<vmem>>
      %parallel_loop3A_98 = tpu.memref_squeeze %parallel_loop3A_97 : memref<1x20224xi32, #tpu.memory_space<vmem>> -> memref<20224xi32, #tpu.memory_space<vmem>>
      tpu.vector_store_idx %parallel_loop3A_98[%parallel_loop3A_88], %parallel_loop3A_71 : memref<20224xi32, #tpu.memory_space<vmem>>[vector<16xi32>], vector<16xi32>,
      %parallel_loop3A_99 = arith.constant true
      %parallel_loop3A_100 = vector.broadcast %parallel_loop3A_99 : i1 to vector<16xi1>
      %parallel_loop3A_101 = tpu.scan <sum>, %parallel_loop3A_79 masked %parallel_loop3A_100 : vector<16xi32>, vector<16xi1> -> vector<16xi32>
      %parallel_loop3A_102 = vector.extract %parallel_loop3A_101[15] : i32 from vector<16xi32>
      %parallel_loop3A_103 = arith.addi %parallel_loop3A_61, %parallel_loop3A_102 : i32
      scf.yield %parallel_loop3A_103 : i32
    } {sc.loop_unroll_factor = 1 : i64, sc.parallel_access}
    %add3A_7 = arith.constant 256 : i32
    %add3A_8 = arith.addi %parallel_loop3A_6, %add3A_7 : i32
    %sub3A = arith.constant 1 : i32
    %sub3A_9 = arith.subi %add3A_8, %sub3A : i32
    %jit3A = arith.constant 256 : i32
    %div3A = arith.divsi %sub3A_9, %jit3A : i32
    %sign3A = arith.constant 0 : i32
    %sign3A_10 = arith.cmpi sgt, %sub3A_9, %sign3A : i32
    %sign3A_11 = arith.extui %sign3A_10 : i1 to i32
    %sign3A_12 = arith.constant 0 : i32
    %sign3A_13 = arith.cmpi slt, %sub3A_9, %sign3A_12 : i32
    %sign3A_14 = arith.extui %sign3A_13 : i1 to i32
    %sign3A_15 = arith.subi %sign3A_11, %sign3A_14 : i32
    %sign3A_16 = arith.constant 0 : i32
    %sign3A_17 = arith.cmpi sgt, %jit3A, %sign3A_16 : i32
    %sign3A_18 = arith.extui %sign3A_17 : i1 to i32
    %sign3A_19 = arith.constant 0 : i32
    %sign3A_20 = arith.cmpi slt, %jit3A, %sign3A_19 : i32
    %sign3A_21 = arith.extui %sign3A_20 : i1 to i32
    %sign3A_22 = arith.subi %sign3A_18, %sign3A_21 : i32
    %ne3A = arith.cmpi ne, %sign3A_15, %sign3A_22 : i32
    %rem3A = arith.remsi %sub3A_9, %jit3A : i32
    %ne3A_23 = arith.constant 0 : i32
    %ne3A_24 = arith.cmpi ne, %rem3A, %ne3A_23 : i32
    %and3A = arith.andi %ne3A, %ne3A_24 : i1
    %sub3A_25 = arith.constant 1 : i32
    %sub3A_26 = arith.subi %div3A, %sub3A_25 : i32
    %select_n3A = arith.select %and3A, %sub3A_26, %div3A : i32
    %max3A = arith.constant 1 : i32
    %max3A_27 = arith.maxsi %select_n3A, %max3A : i32
    %mul3A_28 = arith.constant 256 : i32
    %mul3A_29 = arith.muli %max3A_27, %mul3A_28 : i32
    %iota3A = tpu.iota {dimensions = array<i32: 0>} : vector<16xi32>
    %scan3A = arith.constant 0 : i32
    %scan3A_30 = arith.constant 16 : i32
    %scan3A_31 = arith.addi %scan3A, %scan3A_30 : i32
    %scan3A_32 = arith.constant 1 : i32
    %scan3A_33 = scf.for %scan3A_60 = %scan3A to %scan3A_31 step %scan3A_32 iter_args(%scan3A_61 = %parallel_loop3A_6) -> (i32)  : i32 {
      %lt3A = arith.cmpi slt, %scan3A_61, %mul3A_29 : i32
      %convert_element_type3A = arith.extui %lt3A : i1 to i32
      %cond3A = arith.constant 0 : i32
      %cond3A_62 = arith.cmpi ne, %convert_element_type3A, %cond3A : i32
      scf.if %cond3A_62 {
        %add3A_67 = vector.broadcast %scan3A_61 : i32 to vector<16xi32>
        %add3A_68 = arith.addi %add3A_67, %iota3A : vector<16xi32>
        %and3A_69 = arith.constant 8191 : i32
        %and3A_70 = vector.broadcast %and3A_69 : i32 to vector<16xi32>
        %and3A_71 = arith.andi %add3A_68, %and3A_70 : vector<16xi32>
        %add3A_72 = vector.broadcast %scan3A_61 : i32 to vector<16xi32>
        %add3A_73 = arith.addi %add3A_72, %iota3A : vector<16xi32>
        %and3A_74 = arith.constant 1008 : i32
        %and3A_75 = vector.broadcast %and3A_74 : i32 to vector<16xi32>
        %and3A_76 = arith.andi %add3A_73, %and3A_75 : vector<16xi32>
        %add3A_77 = arith.constant 5120 : i32
        %add3A_78 = vector.broadcast %add3A_77 : i32 to vector<16xi32>
        %add3A_79 = arith.addi %add3A_78, %and3A_76 : vector<16xi32>
        %swap3A_80 = arith.constant 0 : i32
        %swap3A_81 = arith.index_cast %swap3A_80 : i32 to index
        %swap3A_82 = arith.index_cast %scan3A_61 : i32 to index
        %swap3A_83 = tpu.vector_load %arg9[%swap3A_81, %swap3A_82] {strides = array<i32>} : memref<1x20224xi32, #tpu.memory_space<vmem>>, vector<16xi32>,
        tpu.vector_store %arg9[%swap3A_81, %swap3A_82], %and3A_71 {strides = array<i32>} : memref<1x20224xi32, #tpu.memory_space<vmem>>, vector<16xi32>,
        %swap3A_84 = arith.constant 0 : i32
        %swap3A_85 = arith.index_cast %swap3A_84 : i32 to index
        %swap3A_86 = arith.index_cast %scan3A_61 : i32 to index
        %swap3A_87 = tpu.vector_load %arg10[%swap3A_85, %swap3A_86] {strides = array<i32>} : memref<1x20224xi32, #tpu.memory_space<vmem>>, vector<16xi32>,
        tpu.vector_store %arg10[%swap3A_85, %swap3A_86], %add3A_79 {strides = array<i32>} : memref<1x20224xi32, #tpu.memory_space<vmem>>, vector<16xi32>,
      } else {
      }
      %lt3A_63 = arith.cmpi slt, %scan3A_61, %mul3A_29 : i32
      %add3A_64 = arith.constant 16 : i32
      %add3A_65 = arith.addi %scan3A_61, %add3A_64 : i32
      %select_n3A_66 = arith.select %lt3A_63, %add3A_65, %scan3A_61 : i32
      scf.yield %select_n3A_66 : i32
    }
    %scan3A_34 = arith.constant 16 : i32
    %jit3A_35 = arith.constant 128 : i32
    %div3A_36 = arith.divsi %mul3A_29, %jit3A_35 : i32
    %sign3A_37 = arith.constant 0 : i32
    %sign3A_38 = arith.cmpi sgt, %mul3A_29, %sign3A_37 : i32
    %sign3A_39 = arith.extui %sign3A_38 : i1 to i32
    %sign3A_40 = arith.constant 0 : i32
    %sign3A_41 = arith.cmpi slt, %mul3A_29, %sign3A_40 : i32
    %sign3A_42 = arith.extui %sign3A_41 : i1 to i32
    %sign3A_43 = arith.subi %sign3A_39, %sign3A_42 : i32
    %sign3A_44 = arith.constant 0 : i32
    %sign3A_45 = arith.cmpi sgt, %jit3A_35, %sign3A_44 : i32
    %sign3A_46 = arith.extui %sign3A_45 : i1 to i32
    %sign3A_47 = arith.constant 0 : i32
    %sign3A_48 = arith.cmpi slt, %jit3A_35, %sign3A_47 : i32
    %sign3A_49 = arith.extui %sign3A_48 : i1 to i32
    %sign3A_50 = arith.subi %sign3A_46, %sign3A_49 : i32
    %ne3A_51 = arith.cmpi ne, %sign3A_43, %sign3A_50 : i32
    %rem3A_52 = arith.remsi %mul3A_29, %jit3A_35 : i32
    %ne3A_53 = arith.constant 0 : i32
    %ne3A_54 = arith.cmpi ne, %rem3A_52, %ne3A_53 : i32
    %and3A_55 = arith.andi %ne3A_51, %ne3A_54 : i1
    %sub3A_56 = arith.constant 1 : i32
    %sub3A_57 = arith.subi %div3A_36, %sub3A_56 : i32
    %select_n3A_58 = arith.select %and3A_55, %sub3A_57, %div3A_36 : i32
    %broadcast_in_dim3A = vector.broadcast %select_n3A_58 : i32 to vector<16xi32>
    %swap3A = arith.constant 0 : index
    %swap3A_59 = tpu.vector_load %arg11[%swap3A] {strides = array<i32>} : memref<16xi32, #tpu.memory_space<vmem>>, vector<16xi32>,
    tpu.vector_store %arg11[%swap3A], %broadcast_in_dim3A {strides = array<i32>} : memref<16xi32, #tpu.memory_space<vmem>>, vector<16xi32>,
    "tpu.region"() ({
      %run_scoped3A = tpu.sem_alloc : memref<!tpu.dma_semaphore, #tpu.memory_space<semaphore_mem>>
      %dma_start3A = arith.constant 0 : i32
      %dma_start3A_60 = tpu.memref_slice %arg6[%add3A, %dma_start3A] : memref<32x16xi32, #tpu.memory_space<hbm>> -> memref<1x16xi32, #tpu.memory_space<hbm>>
      %dma_start3A_61 = tpu.memref_squeeze %dma_start3A_60 : memref<1x16xi32, #tpu.memory_space<hbm>> -> memref<16xi32, #tpu.memory_space<hbm>>
      %dma_start3A_62 = arith.constant 0 : i32
      %dma_start3A_63 = tpu.memref_slice %arg6[%add3A, %dma_start3A_62] : memref<32x16xi32, #tpu.memory_space<hbm>> -> memref<1x16xi32, #tpu.memory_space<hbm>>
      %dma_start3A_64 = tpu.memref_squeeze %dma_start3A_63 : memref<1x16xi32, #tpu.memory_space<hbm>> -> memref<16xi32, #tpu.memory_space<hbm>>
      tpu.enqueue_dma source(%arg11 : memref<16xi32, #tpu.memory_space<vmem>>) target(%dma_start3A_64 : memref<16xi32, #tpu.memory_space<hbm>>) target_semaphore(%run_scoped3A : memref<!tpu.dma_semaphore, #tpu.memory_space<semaphore_mem>>)
      %dma_wait3A = arith.constant 0 : i32
      %dma_wait3A_65 = tpu.memref_slice %arg6[%add3A, %dma_wait3A] : memref<32x16xi32, #tpu.memory_space<hbm>> -> memref<1x16xi32, #tpu.memory_space<hbm>>
      %dma_wait3A_66 = tpu.memref_squeeze %dma_wait3A_65 : memref<1x16xi32, #tpu.memory_space<hbm>> -> memref<16xi32, #tpu.memory_space<hbm>>
      %dma_wait3A_67 = arith.constant 0 : i32
      %dma_wait3A_68 = tpu.memref_slice %arg6[%add3A, %dma_wait3A_67] : memref<32x16xi32, #tpu.memory_space<hbm>> -> memref<1x16xi32, #tpu.memory_space<hbm>>
      %dma_wait3A_69 = tpu.memref_squeeze %dma_wait3A_68 : memref<1x16xi32, #tpu.memory_space<hbm>> -> memref<16xi32, #tpu.memory_space<hbm>>
      tpu.wait_dma2 semaphore(%run_scoped3A : memref<!tpu.dma_semaphore, #tpu.memory_space<semaphore_mem>>) src(%arg11 : memref<16xi32, #tpu.memory_space<vmem>>) dst(%dma_wait3A_69 : memref<16xi32, #tpu.memory_space<hbm>>)
      tpu.yield
    }) : () -> ()
    "tpu.region"() ({
      %run_scoped3A = tpu.sem_alloc : memref<!tpu.dma_semaphore, #tpu.memory_space<semaphore_mem>>
      %dma_start3A = tpu.memref_reshape %arg9 : memref<1x20224xi32, #tpu.memory_space<vmem>> -> memref<158x128xi32, #tpu.memory_space<vmem>>
      %dma_start3A_60 = arith.constant 0 : i32
      %dma_start3A_61 = arith.constant 0 : i32
      %dma_start3A_62 = tpu.memref_slice %arg4[%add3A, %dma_start3A_60, %dma_start3A_61] : memref<32x158x128xi32, #tpu.memory_space<hbm>> -> memref<1x158x128xi32, #tpu.memory_space<hbm>>
      %dma_start3A_63 = tpu.memref_squeeze %dma_start3A_62 : memref<1x158x128xi32, #tpu.memory_space<hbm>> -> memref<158x128xi32, #tpu.memory_space<hbm>>
      %dma_start3A_64 = arith.constant 0 : i32
      %dma_start3A_65 = arith.constant 0 : i32
      %dma_start3A_66 = tpu.memref_slice %arg4[%add3A, %dma_start3A_64, %dma_start3A_65] : memref<32x158x128xi32, #tpu.memory_space<hbm>> -> memref<1x158x128xi32, #tpu.memory_space<hbm>>
      %dma_start3A_67 = tpu.memref_squeeze %dma_start3A_66 : memref<1x158x128xi32, #tpu.memory_space<hbm>> -> memref<158x128xi32, #tpu.memory_space<hbm>>
      %dma_start3A_68 = tpu.memref_reshape %arg9 : memref<1x20224xi32, #tpu.memory_space<vmem>> -> memref<158x128xi32, #tpu.memory_space<vmem>>
      tpu.enqueue_dma source(%dma_start3A_68 : memref<158x128xi32, #tpu.memory_space<vmem>>) target(%dma_start3A_67 : memref<158x128xi32, #tpu.memory_space<hbm>>) target_semaphore(%run_scoped3A : memref<!tpu.dma_semaphore, #tpu.memory_space<semaphore_mem>>)
      %dma_wait3A = tpu.memref_reshape %arg9 : memref<1x20224xi32, #tpu.memory_space<vmem>> -> memref<158x128xi32, #tpu.memory_space<vmem>>
      %dma_wait3A_69 = arith.constant 0 : i32
      %dma_wait3A_70 = arith.constant 0 : i32
      %dma_wait3A_71 = tpu.memref_slice %arg4[%add3A, %dma_wait3A_69, %dma_wait3A_70] : memref<32x158x128xi32, #tpu.memory_space<hbm>> -> memref<1x158x128xi32, #tpu.memory_space<hbm>>
      %dma_wait3A_72 = tpu.memref_squeeze %dma_wait3A_71 : memref<1x158x128xi32, #tpu.memory_space<hbm>> -> memref<158x128xi32, #tpu.memory_space<hbm>>
      %dma_wait3A_73 = arith.constant 0 : i32
      %dma_wait3A_74 = arith.constant 0 : i32
      %dma_wait3A_75 = tpu.memref_slice %arg4[%add3A, %dma_wait3A_73, %dma_wait3A_74] : memref<32x158x128xi32, #tpu.memory_space<hbm>> -> memref<1x158x128xi32, #tpu.memory_space<hbm>>
      %dma_wait3A_76 = tpu.memref_squeeze %dma_wait3A_75 : memref<1x158x128xi32, #tpu.memory_space<hbm>> -> memref<158x128xi32, #tpu.memory_space<hbm>>
      %dma_wait3A_77 = tpu.memref_reshape %arg9 : memref<1x20224xi32, #tpu.memory_space<vmem>> -> memref<158x128xi32, #tpu.memory_space<vmem>>
      tpu.wait_dma2 semaphore(%run_scoped3A : memref<!tpu.dma_semaphore, #tpu.memory_space<semaphore_mem>>) src(%dma_wait3A_77 : memref<158x128xi32, #tpu.memory_space<vmem>>) dst(%dma_wait3A_76 : memref<158x128xi32, #tpu.memory_space<hbm>>)
      tpu.yield
    }) : () -> ()
    "tpu.region"() ({
      %run_scoped3A = tpu.sem_alloc : memref<!tpu.dma_semaphore, #tpu.memory_space<semaphore_mem>>
      %dma_start3A = tpu.memref_reshape %arg10 : memref<1x20224xi32, #tpu.memory_space<vmem>> -> memref<158x128xi32, #tpu.memory_space<vmem>>
      %dma_start3A_60 = arith.constant 0 : i32
      %dma_start3A_61 = arith.constant 0 : i32
      %dma_start3A_62 = tpu.memref_slice %arg5[%add3A, %dma_start3A_60, %dma_start3A_61] : memref<32x158x128xi32, #tpu.memory_space<hbm>> -> memref<1x158x128xi32, #tpu.memory_space<hbm>>
      %dma_start3A_63 = tpu.memref_squeeze %dma_start3A_62 : memref<1x158x128xi32, #tpu.memory_space<hbm>> -> memref<158x128xi32, #tpu.memory_space<hbm>>
      %dma_start3A_64 = arith.constant 0 : i32
      %dma_start3A_65 = arith.constant 0 : i32
      %dma_start3A_66 = tpu.memref_slice %arg5[%add3A, %dma_start3A_64, %dma_start3A_65] : memref<32x158x128xi32, #tpu.memory_space<hbm>> -> memref<1x158x128xi32, #tpu.memory_space<hbm>>
      %dma_start3A_67 = tpu.memref_squeeze %dma_start3A_66 : memref<1x158x128xi32, #tpu.memory_space<hbm>> -> memref<158x128xi32, #tpu.memory_space<hbm>>
      %dma_start3A_68 = tpu.memref_reshape %arg10 : memref<1x20224xi32, #tpu.memory_space<vmem>> -> memref<158x128xi32, #tpu.memory_space<vmem>>
      tpu.enqueue_dma source(%dma_start3A_68 : memref<158x128xi32, #tpu.memory_space<vmem>>) target(%dma_start3A_67 : memref<158x128xi32, #tpu.memory_space<hbm>>) target_semaphore(%run_scoped3A : memref<!tpu.dma_semaphore, #tpu.memory_space<semaphore_mem>>)
      %dma_wait3A = tpu.memref_reshape %arg10 : memref<1x20224xi32, #tpu.memory_space<vmem>> -> memref<158x128xi32, #tpu.memory_space<vmem>>
      %dma_wait3A_69 = arith.constant 0 : i32
      %dma_wait3A_70 = arith.constant 0 : i32
      %dma_wait3A_71 = tpu.memref_slice %arg5[%add3A, %dma_wait3A_69, %dma_wait3A_70] : memref<32x158x128xi32, #tpu.memory_space<hbm>> -> memref<1x158x128xi32, #tpu.memory_space<hbm>>
      %dma_wait3A_72 = tpu.memref_squeeze %dma_wait3A_71 : memref<1x158x128xi32, #tpu.memory_space<hbm>> -> memref<158x128xi32, #tpu.memory_space<hbm>>
      %dma_wait3A_73 = arith.constant 0 : i32
      %dma_wait3A_74 = arith.constant 0 : i32
      %dma_wait3A_75 = tpu.memref_slice %arg5[%add3A, %dma_wait3A_73, %dma_wait3A_74] : memref<32x158x128xi32, #tpu.memory_space<hbm>> -> memref<1x158x128xi32, #tpu.memory_space<hbm>>
      %dma_wait3A_76 = tpu.memref_squeeze %dma_wait3A_75 : memref<1x158x128xi32, #tpu.memory_space<hbm>> -> memref<158x128xi32, #tpu.memory_space<hbm>>
      %dma_wait3A_77 = tpu.memref_reshape %arg10 : memref<1x20224xi32, #tpu.memory_space<vmem>> -> memref<158x128xi32, #tpu.memory_space<vmem>>
      tpu.wait_dma2 semaphore(%run_scoped3A : memref<!tpu.dma_semaphore, #tpu.memory_space<semaphore_mem>>) src(%dma_wait3A_77 : memref<158x128xi32, #tpu.memory_space<vmem>>) dst(%dma_wait3A_76 : memref<158x128xi32, #tpu.memory_space<hbm>>)
      tpu.yield
    }) : () -> ()
    return
  }
}

#map = affine_map<(d0, d1) -> (0, 0, 0)>
#map1 = affine_map<(d0, d1) -> (0, 0)>
module attributes {stable_mosaic.version = 14 : i64} {
  func.func @k(%arg0: i32, %arg1: i32, %arg2: memref<32x158x128xi32, #tpu.memory_space<hbm>>, %arg3: memref<32x158x128xi32, #tpu.memory_space<hbm>>, %arg4: memref<32x16xi32, #tpu.memory_space<hbm>>, %arg5: memref<10000x128xf32, #tpu.memory_space<hbm>>, %arg6: memref<384x128xf32, #tpu.memory_space<hbm>>, %arg7: memref<2x6144x128xf32, #tpu.memory_space<hbm>>, %arg8: memref<158x128xi32, #tpu.memory_space<vmem>>, %arg9: memref<158x128xi32, #tpu.memory_space<vmem>>, %arg10: memref<16xi32, #tpu.memory_space<vmem>>, %arg11: memref<128x128xf32, #tpu.memory_space<vmem>>, %arg12: memref<128x128xf32, #tpu.memory_space<vmem>>, %arg13: memref<!tpu.dma_semaphore, #tpu.memory_space<semaphore_mem>>, %arg14: memref<!tpu.dma_semaphore, #tpu.memory_space<semaphore_mem>>, %arg15: memref<6144x128xf32, #tpu.memory_space<vmem_shared>>) attributes {dimension_semantics = [#tpu.dimension_semantics<core_parallel>, #tpu.dimension_semantics<subcore_parallel>], iteration_bounds = array<i64: 2, 16>, scalar_prefetch = 0 : i64, scratch_operands = 8 : i64, tpu.core_type = #tpu.core_type<sc_vector_subcore>, window_params = [{transform_indices = #map}, {transform_indices = #map}, {transform_indices = #map1}, {transform_indices = #map1}, {transform_indices = #map1}, {transform_indices = #map}]} {
    %mul3A = arith.constant 16 : i32
    %mul3A_0 = arith.muli %arg0, %mul3A : i32
    %add3A = arith.addi %mul3A_0, %arg1 : i32
    %mul3A_1 = arith.constant 384 : i32
    %mul3A_2 = arith.muli %arg1, %mul3A_1 : i32
    "tpu.region"() ({
      %run_scoped3A = tpu.sem_alloc : memref<!tpu.dma_semaphore, #tpu.memory_space<semaphore_mem>>
      %dma_start3A_44 = arith.constant 0 : i32
      %dma_start3A_45 = tpu.memref_slice %arg15[%mul3A_2, %dma_start3A_44] : memref<6144x128xf32, #tpu.memory_space<vmem_shared>> -> memref<384x128xf32, #tpu.memory_space<vmem_shared>>
      tpu.enqueue_dma source(%arg6 : memref<384x128xf32, #tpu.memory_space<hbm>>) target(%dma_start3A_45 : memref<384x128xf32, #tpu.memory_space<vmem_shared>>) target_semaphore(%run_scoped3A : memref<!tpu.dma_semaphore, #tpu.memory_space<semaphore_mem>>)
      %dma_wait3A = arith.constant 0 : i32
      %dma_wait3A_46 = tpu.memref_slice %arg15[%mul3A_2, %dma_wait3A] : memref<6144x128xf32, #tpu.memory_space<vmem_shared>> -> memref<384x128xf32, #tpu.memory_space<vmem_shared>>
      tpu.wait_dma2 semaphore(%run_scoped3A : memref<!tpu.dma_semaphore, #tpu.memory_space<semaphore_mem>>) src(%arg6 : memref<384x128xf32, #tpu.memory_space<hbm>>) dst(%dma_wait3A_46 : memref<384x128xf32, #tpu.memory_space<vmem_shared>>)
      tpu.yield
    }) : () -> ()
    "tpu.region"() ({
      %run_scoped3A = tpu.sem_alloc : memref<!tpu.dma_semaphore, #tpu.memory_space<semaphore_mem>>
      %dma_start3A_44 = arith.constant 0 : i32
      %dma_start3A_45 = arith.constant 0 : i32
      %dma_start3A_46 = tpu.memref_slice %arg2[%add3A, %dma_start3A_44, %dma_start3A_45] : memref<32x158x128xi32, #tpu.memory_space<hbm>> -> memref<1x158x128xi32, #tpu.memory_space<hbm>>
      %dma_start3A_47 = tpu.memref_squeeze %dma_start3A_46 : memref<1x158x128xi32, #tpu.memory_space<hbm>> -> memref<158x128xi32, #tpu.memory_space<hbm>>
      %dma_start3A_48 = arith.constant 0 : i32
      %dma_start3A_49 = arith.constant 0 : i32
      %dma_start3A_50 = tpu.memref_slice %arg2[%add3A, %dma_start3A_48, %dma_start3A_49] : memref<32x158x128xi32, #tpu.memory_space<hbm>> -> memref<1x158x128xi32, #tpu.memory_space<hbm>>
      %dma_start3A_51 = tpu.memref_squeeze %dma_start3A_50 : memref<1x158x128xi32, #tpu.memory_space<hbm>> -> memref<158x128xi32, #tpu.memory_space<hbm>>
      tpu.enqueue_dma source(%dma_start3A_51 : memref<158x128xi32, #tpu.memory_space<hbm>>) target(%arg8 : memref<158x128xi32, #tpu.memory_space<vmem>>) target_semaphore(%run_scoped3A : memref<!tpu.dma_semaphore, #tpu.memory_space<semaphore_mem>>)
      %dma_wait3A = arith.constant 0 : i32
      %dma_wait3A_52 = arith.constant 0 : i32
      %dma_wait3A_53 = tpu.memref_slice %arg2[%add3A, %dma_wait3A, %dma_wait3A_52] : memref<32x158x128xi32, #tpu.memory_space<hbm>> -> memref<1x158x128xi32, #tpu.memory_space<hbm>>
      %dma_wait3A_54 = tpu.memref_squeeze %dma_wait3A_53 : memref<1x158x128xi32, #tpu.memory_space<hbm>> -> memref<158x128xi32, #tpu.memory_space<hbm>>
      %dma_wait3A_55 = arith.constant 0 : i32
      %dma_wait3A_56 = arith.constant 0 : i32
      %dma_wait3A_57 = tpu.memref_slice %arg2[%add3A, %dma_wait3A_55, %dma_wait3A_56] : memref<32x158x128xi32, #tpu.memory_space<hbm>> -> memref<1x158x128xi32, #tpu.memory_space<hbm>>
      %dma_wait3A_58 = tpu.memref_squeeze %dma_wait3A_57 : memref<1x158x128xi32, #tpu.memory_space<hbm>> -> memref<158x128xi32, #tpu.memory_space<hbm>>
      tpu.wait_dma2 semaphore(%run_scoped3A : memref<!tpu.dma_semaphore, #tpu.memory_space<semaphore_mem>>) src(%dma_wait3A_58 : memref<158x128xi32, #tpu.memory_space<hbm>>) dst(%arg8 : memref<158x128xi32, #tpu.memory_space<vmem>>)
      tpu.yield
    }) : () -> ()
    "tpu.region"() ({
      %run_scoped3A = tpu.sem_alloc : memref<!tpu.dma_semaphore, #tpu.memory_space<semaphore_mem>>
      %dma_start3A_44 = arith.constant 0 : i32
      %dma_start3A_45 = arith.constant 0 : i32
      %dma_start3A_46 = tpu.memref_slice %arg3[%add3A, %dma_start3A_44, %dma_start3A_45] : memref<32x158x128xi32, #tpu.memory_space<hbm>> -> memref<1x158x128xi32, #tpu.memory_space<hbm>>
      %dma_start3A_47 = tpu.memref_squeeze %dma_start3A_46 : memref<1x158x128xi32, #tpu.memory_space<hbm>> -> memref<158x128xi32, #tpu.memory_space<hbm>>
      %dma_start3A_48 = arith.constant 0 : i32
      %dma_start3A_49 = arith.constant 0 : i32
      %dma_start3A_50 = tpu.memref_slice %arg3[%add3A, %dma_start3A_48, %dma_start3A_49] : memref<32x158x128xi32, #tpu.memory_space<hbm>> -> memref<1x158x128xi32, #tpu.memory_space<hbm>>
      %dma_start3A_51 = tpu.memref_squeeze %dma_start3A_50 : memref<1x158x128xi32, #tpu.memory_space<hbm>> -> memref<158x128xi32, #tpu.memory_space<hbm>>
      tpu.enqueue_dma source(%dma_start3A_51 : memref<158x128xi32, #tpu.memory_space<hbm>>) target(%arg9 : memref<158x128xi32, #tpu.memory_space<vmem>>) target_semaphore(%run_scoped3A : memref<!tpu.dma_semaphore, #tpu.memory_space<semaphore_mem>>)
      %dma_wait3A = arith.constant 0 : i32
      %dma_wait3A_52 = arith.constant 0 : i32
      %dma_wait3A_53 = tpu.memref_slice %arg3[%add3A, %dma_wait3A, %dma_wait3A_52] : memref<32x158x128xi32, #tpu.memory_space<hbm>> -> memref<1x158x128xi32, #tpu.memory_space<hbm>>
      %dma_wait3A_54 = tpu.memref_squeeze %dma_wait3A_53 : memref<1x158x128xi32, #tpu.memory_space<hbm>> -> memref<158x128xi32, #tpu.memory_space<hbm>>
      %dma_wait3A_55 = arith.constant 0 : i32
      %dma_wait3A_56 = arith.constant 0 : i32
      %dma_wait3A_57 = tpu.memref_slice %arg3[%add3A, %dma_wait3A_55, %dma_wait3A_56] : memref<32x158x128xi32, #tpu.memory_space<hbm>> -> memref<1x158x128xi32, #tpu.memory_space<hbm>>
      %dma_wait3A_58 = tpu.memref_squeeze %dma_wait3A_57 : memref<1x158x128xi32, #tpu.memory_space<hbm>> -> memref<158x128xi32, #tpu.memory_space<hbm>>
      tpu.wait_dma2 semaphore(%run_scoped3A : memref<!tpu.dma_semaphore, #tpu.memory_space<semaphore_mem>>) src(%dma_wait3A_58 : memref<158x128xi32, #tpu.memory_space<hbm>>) dst(%arg9 : memref<158x128xi32, #tpu.memory_space<vmem>>)
      tpu.yield
    }) : () -> ()
    "tpu.region"() ({
      %run_scoped3A = tpu.sem_alloc : memref<!tpu.dma_semaphore, #tpu.memory_space<semaphore_mem>>
      %dma_start3A_44 = arith.constant 0 : i32
      %dma_start3A_45 = tpu.memref_slice %arg4[%add3A, %dma_start3A_44] : memref<32x16xi32, #tpu.memory_space<hbm>> -> memref<1x16xi32, #tpu.memory_space<hbm>>
      %dma_start3A_46 = tpu.memref_squeeze %dma_start3A_45 : memref<1x16xi32, #tpu.memory_space<hbm>> -> memref<16xi32, #tpu.memory_space<hbm>>
      %dma_start3A_47 = arith.constant 0 : i32
      %dma_start3A_48 = tpu.memref_slice %arg4[%add3A, %dma_start3A_47] : memref<32x16xi32, #tpu.memory_space<hbm>> -> memref<1x16xi32, #tpu.memory_space<hbm>>
      %dma_start3A_49 = tpu.memref_squeeze %dma_start3A_48 : memref<1x16xi32, #tpu.memory_space<hbm>> -> memref<16xi32, #tpu.memory_space<hbm>>
      tpu.enqueue_dma source(%dma_start3A_49 : memref<16xi32, #tpu.memory_space<hbm>>) target(%arg10 : memref<16xi32, #tpu.memory_space<vmem>>) target_semaphore(%run_scoped3A : memref<!tpu.dma_semaphore, #tpu.memory_space<semaphore_mem>>)
      %dma_wait3A = arith.constant 0 : i32
      %dma_wait3A_50 = tpu.memref_slice %arg4[%add3A, %dma_wait3A] : memref<32x16xi32, #tpu.memory_space<hbm>> -> memref<1x16xi32, #tpu.memory_space<hbm>>
      %dma_wait3A_51 = tpu.memref_squeeze %dma_wait3A_50 : memref<1x16xi32, #tpu.memory_space<hbm>> -> memref<16xi32, #tpu.memory_space<hbm>>
      %dma_wait3A_52 = arith.constant 0 : i32
      %dma_wait3A_53 = tpu.memref_slice %arg4[%add3A, %dma_wait3A_52] : memref<32x16xi32, #tpu.memory_space<hbm>> -> memref<1x16xi32, #tpu.memory_space<hbm>>
      %dma_wait3A_54 = tpu.memref_squeeze %dma_wait3A_53 : memref<1x16xi32, #tpu.memory_space<hbm>> -> memref<16xi32, #tpu.memory_space<hbm>>
      tpu.wait_dma2 semaphore(%run_scoped3A : memref<!tpu.dma_semaphore, #tpu.memory_space<semaphore_mem>>) src(%dma_wait3A_54 : memref<16xi32, #tpu.memory_space<hbm>>) dst(%arg10 : memref<16xi32, #tpu.memory_space<vmem>>)
      tpu.yield
    }) : () -> ()
    %get3A = arith.constant 0 : index
    %get3A_3 = tpu.vector_load %arg10[%get3A] {strides = array<i32>} : memref<16xi32, #tpu.memory_space<vmem>>, vector<16xi32>,
    %get3A_4 = vector.shape_cast %get3A_3 : vector<16xi32> to vector<16xi32>
    %slice3A = vector.extract_strided_slice %get3A_4 {offsets = [0], sizes = [1], strides = [1]} : vector<16xi32> to vector<1xi32>
    %squeeze3A = vector.extract %slice3A[0] : i32 from vector<1xi32>
    %barrier3A = arith.constant 0 : index
    tpu.barrier barrier_id(%barrier3A)
    %dma_start3A = arith.constant 0 : i32
    %dma_start3A_5 = arith.constant 0 : i32
    %dma_start3A_6 = tpu.memref_slice %arg8[%dma_start3A, %dma_start3A_5] : memref<158x128xi32, #tpu.memory_space<vmem>> -> memref<1x128xi32, #tpu.memory_space<vmem>>
    %dma_start3A_7 = tpu.memref_squeeze %dma_start3A_6 : memref<1x128xi32, #tpu.memory_space<vmem>> -> memref<128xi32, #tpu.memory_space<vmem>>
    %dma_start3A_8 = arith.constant 0 : i32
    %dma_start3A_9 = arith.constant 0 : i32
    %dma_start3A_10 = tpu.memref_slice %arg5[%dma_start3A_8, %dma_start3A_9] : memref<10000x128xf32, #tpu.memory_space<hbm>> -> memref<10000x128xf32, #tpu.memory_space<hbm>>
    tpu.enqueue_indirect_dma source(%dma_start3A_10 : memref<10000x128xf32, #tpu.memory_space<hbm>>) target(%arg11 : memref<128x128xf32, #tpu.memory_space<vmem>>) offsets(%dma_start3A_7 : memref<128xi32, #tpu.memory_space<vmem>>) semaphore(%arg13 : memref<!tpu.dma_semaphore, #tpu.memory_space<semaphore_mem>>)
    %dma_start3A_11 = arith.constant 1 : i32
    %dma_start3A_12 = arith.constant 0 : i32
    %dma_start3A_13 = tpu.memref_slice %arg8[%dma_start3A_11, %dma_start3A_12] : memref<158x128xi32, #tpu.memory_space<vmem>> -> memref<1x128xi32, #tpu.memory_space<vmem>>
    %dma_start3A_14 = tpu.memref_squeeze %dma_start3A_13 : memref<1x128xi32, #tpu.memory_space<vmem>> -> memref<128xi32, #tpu.memory_space<vmem>>
    %dma_start3A_15 = arith.constant 0 : i32
    %dma_start3A_16 = arith.constant 0 : i32
    %dma_start3A_17 = tpu.memref_slice %arg5[%dma_start3A_15, %dma_start3A_16] : memref<10000x128xf32, #tpu.memory_space<hbm>> -> memref<10000x128xf32, #tpu.memory_space<hbm>>
    tpu.enqueue_indirect_dma source(%dma_start3A_17 : memref<10000x128xf32, #tpu.memory_space<hbm>>) target(%arg12 : memref<128x128xf32, #tpu.memory_space<vmem>>) offsets(%dma_start3A_14 : memref<128xi32, #tpu.memory_space<vmem>>) semaphore(%arg14 : memref<!tpu.dma_semaphore, #tpu.memory_space<semaphore_mem>>)
    %jit3A = arith.constant 2 : i32
    %div3A = arith.divsi %squeeze3A, %jit3A : i32
    %sign3A = arith.constant 0 : i32
    %sign3A_18 = arith.cmpi sgt, %squeeze3A, %sign3A : i32
    %sign3A_19 = arith.extui %sign3A_18 : i1 to i32
    %sign3A_20 = arith.constant 0 : i32
    %sign3A_21 = arith.cmpi slt, %squeeze3A, %sign3A_20 : i32
    %sign3A_22 = arith.extui %sign3A_21 : i1 to i32
    %sign3A_23 = arith.subi %sign3A_19, %sign3A_22 : i32
    %sign3A_24 = arith.constant 0 : i32
    %sign3A_25 = arith.cmpi sgt, %jit3A, %sign3A_24 : i32
    %sign3A_26 = arith.extui %sign3A_25 : i1 to i32
    %sign3A_27 = arith.constant 0 : i32
    %sign3A_28 = arith.cmpi slt, %jit3A, %sign3A_27 : i32
    %sign3A_29 = arith.extui %sign3A_28 : i1 to i32
    %sign3A_30 = arith.subi %sign3A_26, %sign3A_29 : i32
    %ne3A = arith.cmpi ne, %sign3A_23, %sign3A_30 : i32
    %rem3A = arith.remsi %squeeze3A, %jit3A : i32
    %ne3A_31 = arith.constant 0 : i32
    %ne3A_32 = arith.cmpi ne, %rem3A, %ne3A_31 : i32
    %and3A = arith.andi %ne3A, %ne3A_32 : i1
    %sub3A = arith.constant 1 : i32
    %sub3A_33 = arith.subi %div3A, %sub3A : i32
    %select_n3A = arith.select %and3A, %sub3A_33, %div3A : i32
    %while3A = arith.constant 0 : i32
    %while3A_34 = arith.constant 0 : i32
    %while3A_35 = arith.subi %select_n3A, %while3A_34 : i32
    %while3A_36 = arith.addi %while3A_34, %while3A_35 : i32
    %while3A_37 = arith.constant 1 : i32
    %while3A_38 = arith.divsi %while3A_35, %while3A_37 : i32
    %while3A_39 = arith.muli %while3A_38, %while3A_37 : i32
    %while3A_40 = arith.addi %while3A_34, %while3A_39 : i32
    %while3A_41 = arith.constant 1 : i32
    scf.for %while3A_44 = %while3A_34 to %while3A_40 step %while3A_41  : i32 {
      %mul3A_45 = arith.constant 2 : i32
      %mul3A_46 = arith.muli %while3A_44, %mul3A_45 : i32
      %add3A_47 = arith.constant 0 : i32
      %add3A_48 = arith.addi %mul3A_46, %add3A_47 : i32
      %dma_wait3A = arith.constant 0 : i32
      %dma_wait3A_49 = arith.constant 0 : i32
      %dma_wait3A_50 = tpu.memref_slice %arg5[%dma_wait3A, %dma_wait3A_49] : memref<10000x128xf32, #tpu.memory_space<hbm>> -> memref<128x128xf32, #tpu.memory_space<hbm>>
      %dma_wait3A_51 = arith.constant 0 : i32
      %dma_wait3A_52 = arith.constant 0 : i32
      %dma_wait3A_53 = tpu.memref_slice %arg5[%dma_wait3A_51, %dma_wait3A_52] : memref<10000x128xf32, #tpu.memory_space<hbm>> -> memref<128x128xf32, #tpu.memory_space<hbm>>
      tpu.wait_dma2 semaphore(%arg13 : memref<!tpu.dma_semaphore, #tpu.memory_space<semaphore_mem>>) src(%dma_wait3A_53 : memref<128x128xf32, #tpu.memory_space<hbm>>) dst(%arg11 : memref<128x128xf32, #tpu.memory_space<vmem>>)
      "tpu.region"() ({
        %run_scoped3A = tpu.sem_alloc : memref<!tpu.dma_semaphore, #tpu.memory_space<semaphore_mem>>
        %dma_start3A_73 = arith.constant 0 : i32
        %dma_start3A_74 = tpu.memref_slice %arg9[%add3A_48, %dma_start3A_73] : memref<158x128xi32, #tpu.memory_space<vmem>> -> memref<1x128xi32, #tpu.memory_space<vmem>>
        %dma_start3A_75 = tpu.memref_squeeze %dma_start3A_74 : memref<1x128xi32, #tpu.memory_space<vmem>> -> memref<128xi32, #tpu.memory_space<vmem>>
        %dma_start3A_76 = arith.constant 0 : i32
        %dma_start3A_77 = arith.constant 0 : i32
        %dma_start3A_78 = tpu.memref_slice %arg15[%dma_start3A_76, %dma_start3A_77] : memref<6144x128xf32, #tpu.memory_space<vmem_shared>> -> memref<6144x128xf32, #tpu.memory_space<vmem_shared>>
        tpu.enqueue_indirect_dma source(%arg11 : memref<128x128xf32, #tpu.memory_space<vmem>>) target(%dma_start3A_78 : memref<6144x128xf32, #tpu.memory_space<vmem_shared>>) offsets(%dma_start3A_75 : memref<128xi32, #tpu.memory_space<vmem>>) semaphore(%run_scoped3A : memref<!tpu.dma_semaphore, #tpu.memory_space<semaphore_mem>>) {add = true}
        %dma_wait3A_79 = arith.constant 0 : i32
        %dma_wait3A_80 = tpu.memref_slice %arg9[%add3A_48, %dma_wait3A_79] : memref<158x128xi32, #tpu.memory_space<vmem>> -> memref<1x128xi32, #tpu.memory_space<vmem>>
        %dma_wait3A_81 = tpu.memref_squeeze %dma_wait3A_80 : memref<1x128xi32, #tpu.memory_space<vmem>> -> memref<128xi32, #tpu.memory_space<vmem>>
        %dma_wait3A_82 = arith.constant 0 : i32
        %dma_wait3A_83 = arith.constant 0 : i32
        %dma_wait3A_84 = tpu.memref_slice %arg15[%dma_wait3A_82, %dma_wait3A_83] : memref<6144x128xf32, #tpu.memory_space<vmem_shared>> -> memref<6144x128xf32, #tpu.memory_space<vmem_shared>>
        tpu.wait_indirect_dma semaphore(%run_scoped3A : memref<!tpu.dma_semaphore, #tpu.memory_space<semaphore_mem>>) src(%arg11 : memref<128x128xf32, #tpu.memory_space<vmem>>) dst(%dma_wait3A_84 : memref<6144x128xf32, #tpu.memory_space<vmem_shared>>)
        tpu.yield
      }) : () -> ()
      %add3A_54 = arith.constant 2 : i32
      %add3A_55 = arith.addi %add3A_48, %add3A_54 : i32
      %lt3A = arith.cmpi slt, %add3A_55, %squeeze3A : i32
      %convert_element_type3A = arith.extui %lt3A : i1 to i32
      %cond3A = arith.constant 0 : i32
      %cond3A_56 = arith.cmpi ne, %convert_element_type3A, %cond3A : i32
      scf.if %cond3A_56 {
        %add3A_73 = arith.constant 2 : i32
        %add3A_74 = arith.addi %add3A_48, %add3A_73 : i32
        %dma_start3A_75 = arith.constant 0 : i32
        %dma_start3A_76 = tpu.memref_slice %arg8[%add3A_74, %dma_start3A_75] : memref<158x128xi32, #tpu.memory_space<vmem>> -> memref<1x128xi32, #tpu.memory_space<vmem>>
        %dma_start3A_77 = tpu.memref_squeeze %dma_start3A_76 : memref<1x128xi32, #tpu.memory_space<vmem>> -> memref<128xi32, #tpu.memory_space<vmem>>
        %dma_start3A_78 = arith.constant 0 : i32
        %dma_start3A_79 = arith.constant 0 : i32
        %dma_start3A_80 = tpu.memref_slice %arg5[%dma_start3A_78, %dma_start3A_79] : memref<10000x128xf32, #tpu.memory_space<hbm>> -> memref<10000x128xf32, #tpu.memory_space<hbm>>
        tpu.enqueue_indirect_dma source(%dma_start3A_80 : memref<10000x128xf32, #tpu.memory_space<hbm>>) target(%arg11 : memref<128x128xf32, #tpu.memory_space<vmem>>) offsets(%dma_start3A_77 : memref<128xi32, #tpu.memory_space<vmem>>) semaphore(%arg13 : memref<!tpu.dma_semaphore, #tpu.memory_space<semaphore_mem>>)
      } else {
      }
      %mul3A_57 = arith.constant 2 : i32
      %mul3A_58 = arith.muli %while3A_44, %mul3A_57 : i32
      %add3A_59 = arith.constant 1 : i32
      %add3A_60 = arith.addi %mul3A_58, %add3A_59 : i32
      %dma_wait3A_61 = arith.constant 0 : i32
      %dma_wait3A_62 = arith.constant 0 : i32
      %dma_wait3A_63 = tpu.memref_slice %arg5[%dma_wait3A_61, %dma_wait3A_62] : memref<10000x128xf32, #tpu.memory_space<hbm>> -> memref<128x128xf32, #tpu.memory_space<hbm>>
      %dma_wait3A_64 = arith.constant 0 : i32
      %dma_wait3A_65 = arith.constant 0 : i32
      %dma_wait3A_66 = tpu.memref_slice %arg5[%dma_wait3A_64, %dma_wait3A_65] : memref<10000x128xf32, #tpu.memory_space<hbm>> -> memref<128x128xf32, #tpu.memory_space<hbm>>
      tpu.wait_dma2 semaphore(%arg14 : memref<!tpu.dma_semaphore, #tpu.memory_space<semaphore_mem>>) src(%dma_wait3A_66 : memref<128x128xf32, #tpu.memory_space<hbm>>) dst(%arg12 : memref<128x128xf32, #tpu.memory_space<vmem>>)
      "tpu.region"() ({
        %run_scoped3A = tpu.sem_alloc : memref<!tpu.dma_semaphore, #tpu.memory_space<semaphore_mem>>
        %dma_start3A_73 = arith.constant 0 : i32
        %dma_start3A_74 = tpu.memref_slice %arg9[%add3A_60, %dma_start3A_73] : memref<158x128xi32, #tpu.memory_space<vmem>> -> memref<1x128xi32, #tpu.memory_space<vmem>>
        %dma_start3A_75 = tpu.memref_squeeze %dma_start3A_74 : memref<1x128xi32, #tpu.memory_space<vmem>> -> memref<128xi32, #tpu.memory_space<vmem>>
        %dma_start3A_76 = arith.constant 0 : i32
        %dma_start3A_77 = arith.constant 0 : i32
        %dma_start3A_78 = tpu.memref_slice %arg15[%dma_start3A_76, %dma_start3A_77] : memref<6144x128xf32, #tpu.memory_space<vmem_shared>> -> memref<6144x128xf32, #tpu.memory_space<vmem_shared>>
        tpu.enqueue_indirect_dma source(%arg12 : memref<128x128xf32, #tpu.memory_space<vmem>>) target(%dma_start3A_78 : memref<6144x128xf32, #tpu.memory_space<vmem_shared>>) offsets(%dma_start3A_75 : memref<128xi32, #tpu.memory_space<vmem>>) semaphore(%run_scoped3A : memref<!tpu.dma_semaphore, #tpu.memory_space<semaphore_mem>>) {add = true}
        %dma_wait3A_79 = arith.constant 0 : i32
        %dma_wait3A_80 = tpu.memref_slice %arg9[%add3A_60, %dma_wait3A_79] : memref<158x128xi32, #tpu.memory_space<vmem>> -> memref<1x128xi32, #tpu.memory_space<vmem>>
        %dma_wait3A_81 = tpu.memref_squeeze %dma_wait3A_80 : memref<1x128xi32, #tpu.memory_space<vmem>> -> memref<128xi32, #tpu.memory_space<vmem>>
        %dma_wait3A_82 = arith.constant 0 : i32
        %dma_wait3A_83 = arith.constant 0 : i32
        %dma_wait3A_84 = tpu.memref_slice %arg15[%dma_wait3A_82, %dma_wait3A_83] : memref<6144x128xf32, #tpu.memory_space<vmem_shared>> -> memref<6144x128xf32, #tpu.memory_space<vmem_shared>>
        tpu.wait_indirect_dma semaphore(%run_scoped3A : memref<!tpu.dma_semaphore, #tpu.memory_space<semaphore_mem>>) src(%arg12 : memref<128x128xf32, #tpu.memory_space<vmem>>) dst(%dma_wait3A_84 : memref<6144x128xf32, #tpu.memory_space<vmem_shared>>)
        tpu.yield
      }) : () -> ()
      %add3A_67 = arith.constant 2 : i32
      %add3A_68 = arith.addi %add3A_60, %add3A_67 : i32
      %lt3A_69 = arith.cmpi slt, %add3A_68, %squeeze3A : i32
      %convert_element_type3A_70 = arith.extui %lt3A_69 : i1 to i32
      %cond3A_71 = arith.constant 0 : i32
      %cond3A_72 = arith.cmpi ne, %convert_element_type3A_70, %cond3A_71 : i32
      scf.if %cond3A_72 {
        %add3A_73 = arith.constant 2 : i32
        %add3A_74 = arith.addi %add3A_60, %add3A_73 : i32
        %dma_start3A_75 = arith.constant 0 : i32
        %dma_start3A_76 = tpu.memref_slice %arg8[%add3A_74, %dma_start3A_75] : memref<158x128xi32, #tpu.memory_space<vmem>> -> memref<1x128xi32, #tpu.memory_space<vmem>>
        %dma_start3A_77 = tpu.memref_squeeze %dma_start3A_76 : memref<1x128xi32, #tpu.memory_space<vmem>> -> memref<128xi32, #tpu.memory_space<vmem>>
        %dma_start3A_78 = arith.constant 0 : i32
        %dma_start3A_79 = arith.constant 0 : i32
        %dma_start3A_80 = tpu.memref_slice %arg5[%dma_start3A_78, %dma_start3A_79] : memref<10000x128xf32, #tpu.memory_space<hbm>> -> memref<10000x128xf32, #tpu.memory_space<hbm>>
        tpu.enqueue_indirect_dma source(%dma_start3A_80 : memref<10000x128xf32, #tpu.memory_space<hbm>>) target(%arg12 : memref<128x128xf32, #tpu.memory_space<vmem>>) offsets(%dma_start3A_77 : memref<128xi32, #tpu.memory_space<vmem>>) semaphore(%arg14 : memref<!tpu.dma_semaphore, #tpu.memory_space<semaphore_mem>>)
      } else {
      }
    }
    %while3A_42 = arith.constant 1 : i32
    scf.for %while3A_44 = %while3A_40 to %while3A_36 step %while3A_42  : i32 {
      %mul3A_45 = arith.constant 2 : i32
      %mul3A_46 = arith.muli %while3A_44, %mul3A_45 : i32
      %add3A_47 = arith.constant 0 : i32
      %add3A_48 = arith.addi %mul3A_46, %add3A_47 : i32
      %dma_wait3A = arith.constant 0 : i32
      %dma_wait3A_49 = arith.constant 0 : i32
      %dma_wait3A_50 = tpu.memref_slice %arg5[%dma_wait3A, %dma_wait3A_49] : memref<10000x128xf32, #tpu.memory_space<hbm>> -> memref<128x128xf32, #tpu.memory_space<hbm>>
      %dma_wait3A_51 = arith.constant 0 : i32
      %dma_wait3A_52 = arith.constant 0 : i32
      %dma_wait3A_53 = tpu.memref_slice %arg5[%dma_wait3A_51, %dma_wait3A_52] : memref<10000x128xf32, #tpu.memory_space<hbm>> -> memref<128x128xf32, #tpu.memory_space<hbm>>
      tpu.wait_dma2 semaphore(%arg13 : memref<!tpu.dma_semaphore, #tpu.memory_space<semaphore_mem>>) src(%dma_wait3A_53 : memref<128x128xf32, #tpu.memory_space<hbm>>) dst(%arg11 : memref<128x128xf32, #tpu.memory_space<vmem>>)
      "tpu.region"() ({
        %run_scoped3A = tpu.sem_alloc : memref<!tpu.dma_semaphore, #tpu.memory_space<semaphore_mem>>
        %dma_start3A_73 = arith.constant 0 : i32
        %dma_start3A_74 = tpu.memref_slice %arg9[%add3A_48, %dma_start3A_73] : memref<158x128xi32, #tpu.memory_space<vmem>> -> memref<1x128xi32, #tpu.memory_space<vmem>>
        %dma_start3A_75 = tpu.memref_squeeze %dma_start3A_74 : memref<1x128xi32, #tpu.memory_space<vmem>> -> memref<128xi32, #tpu.memory_space<vmem>>
        %dma_start3A_76 = arith.constant 0 : i32
        %dma_start3A_77 = arith.constant 0 : i32
        %dma_start3A_78 = tpu.memref_slice %arg15[%dma_start3A_76, %dma_start3A_77] : memref<6144x128xf32, #tpu.memory_space<vmem_shared>> -> memref<6144x128xf32, #tpu.memory_space<vmem_shared>>
        tpu.enqueue_indirect_dma source(%arg11 : memref<128x128xf32, #tpu.memory_space<vmem>>) target(%dma_start3A_78 : memref<6144x128xf32, #tpu.memory_space<vmem_shared>>) offsets(%dma_start3A_75 : memref<128xi32, #tpu.memory_space<vmem>>) semaphore(%run_scoped3A : memref<!tpu.dma_semaphore, #tpu.memory_space<semaphore_mem>>) {add = true}
        %dma_wait3A_79 = arith.constant 0 : i32
        %dma_wait3A_80 = tpu.memref_slice %arg9[%add3A_48, %dma_wait3A_79] : memref<158x128xi32, #tpu.memory_space<vmem>> -> memref<1x128xi32, #tpu.memory_space<vmem>>
        %dma_wait3A_81 = tpu.memref_squeeze %dma_wait3A_80 : memref<1x128xi32, #tpu.memory_space<vmem>> -> memref<128xi32, #tpu.memory_space<vmem>>
        %dma_wait3A_82 = arith.constant 0 : i32
        %dma_wait3A_83 = arith.constant 0 : i32
        %dma_wait3A_84 = tpu.memref_slice %arg15[%dma_wait3A_82, %dma_wait3A_83] : memref<6144x128xf32, #tpu.memory_space<vmem_shared>> -> memref<6144x128xf32, #tpu.memory_space<vmem_shared>>
        tpu.wait_indirect_dma semaphore(%run_scoped3A : memref<!tpu.dma_semaphore, #tpu.memory_space<semaphore_mem>>) src(%arg11 : memref<128x128xf32, #tpu.memory_space<vmem>>) dst(%dma_wait3A_84 : memref<6144x128xf32, #tpu.memory_space<vmem_shared>>)
        tpu.yield
      }) : () -> ()
      %add3A_54 = arith.constant 2 : i32
      %add3A_55 = arith.addi %add3A_48, %add3A_54 : i32
      %lt3A = arith.cmpi slt, %add3A_55, %squeeze3A : i32
      %convert_element_type3A = arith.extui %lt3A : i1 to i32
      %cond3A = arith.constant 0 : i32
      %cond3A_56 = arith.cmpi ne, %convert_element_type3A, %cond3A : i32
      scf.if %cond3A_56 {
        %add3A_73 = arith.constant 2 : i32
        %add3A_74 = arith.addi %add3A_48, %add3A_73 : i32
        %dma_start3A_75 = arith.constant 0 : i32
        %dma_start3A_76 = tpu.memref_slice %arg8[%add3A_74, %dma_start3A_75] : memref<158x128xi32, #tpu.memory_space<vmem>> -> memref<1x128xi32, #tpu.memory_space<vmem>>
        %dma_start3A_77 = tpu.memref_squeeze %dma_start3A_76 : memref<1x128xi32, #tpu.memory_space<vmem>> -> memref<128xi32, #tpu.memory_space<vmem>>
        %dma_start3A_78 = arith.constant 0 : i32
        %dma_start3A_79 = arith.constant 0 : i32
        %dma_start3A_80 = tpu.memref_slice %arg5[%dma_start3A_78, %dma_start3A_79] : memref<10000x128xf32, #tpu.memory_space<hbm>> -> memref<10000x128xf32, #tpu.memory_space<hbm>>
        tpu.enqueue_indirect_dma source(%dma_start3A_80 : memref<10000x128xf32, #tpu.memory_space<hbm>>) target(%arg11 : memref<128x128xf32, #tpu.memory_space<vmem>>) offsets(%dma_start3A_77 : memref<128xi32, #tpu.memory_space<vmem>>) semaphore(%arg13 : memref<!tpu.dma_semaphore, #tpu.memory_space<semaphore_mem>>)
      } else {
      }
      %mul3A_57 = arith.constant 2 : i32
      %mul3A_58 = arith.muli %while3A_44, %mul3A_57 : i32
      %add3A_59 = arith.constant 1 : i32
      %add3A_60 = arith.addi %mul3A_58, %add3A_59 : i32
      %dma_wait3A_61 = arith.constant 0 : i32
      %dma_wait3A_62 = arith.constant 0 : i32
      %dma_wait3A_63 = tpu.memref_slice %arg5[%dma_wait3A_61, %dma_wait3A_62] : memref<10000x128xf32, #tpu.memory_space<hbm>> -> memref<128x128xf32, #tpu.memory_space<hbm>>
      %dma_wait3A_64 = arith.constant 0 : i32
      %dma_wait3A_65 = arith.constant 0 : i32
      %dma_wait3A_66 = tpu.memref_slice %arg5[%dma_wait3A_64, %dma_wait3A_65] : memref<10000x128xf32, #tpu.memory_space<hbm>> -> memref<128x128xf32, #tpu.memory_space<hbm>>
      tpu.wait_dma2 semaphore(%arg14 : memref<!tpu.dma_semaphore, #tpu.memory_space<semaphore_mem>>) src(%dma_wait3A_66 : memref<128x128xf32, #tpu.memory_space<hbm>>) dst(%arg12 : memref<128x128xf32, #tpu.memory_space<vmem>>)
      "tpu.region"() ({
        %run_scoped3A = tpu.sem_alloc : memref<!tpu.dma_semaphore, #tpu.memory_space<semaphore_mem>>
        %dma_start3A_73 = arith.constant 0 : i32
        %dma_start3A_74 = tpu.memref_slice %arg9[%add3A_60, %dma_start3A_73] : memref<158x128xi32, #tpu.memory_space<vmem>> -> memref<1x128xi32, #tpu.memory_space<vmem>>
        %dma_start3A_75 = tpu.memref_squeeze %dma_start3A_74 : memref<1x128xi32, #tpu.memory_space<vmem>> -> memref<128xi32, #tpu.memory_space<vmem>>
        %dma_start3A_76 = arith.constant 0 : i32
        %dma_start3A_77 = arith.constant 0 : i32
        %dma_start3A_78 = tpu.memref_slice %arg15[%dma_start3A_76, %dma_start3A_77] : memref<6144x128xf32, #tpu.memory_space<vmem_shared>> -> memref<6144x128xf32, #tpu.memory_space<vmem_shared>>
        tpu.enqueue_indirect_dma source(%arg12 : memref<128x128xf32, #tpu.memory_space<vmem>>) target(%dma_start3A_78 : memref<6144x128xf32, #tpu.memory_space<vmem_shared>>) offsets(%dma_start3A_75 : memref<128xi32, #tpu.memory_space<vmem>>) semaphore(%run_scoped3A : memref<!tpu.dma_semaphore, #tpu.memory_space<semaphore_mem>>) {add = true}
        %dma_wait3A_79 = arith.constant 0 : i32
        %dma_wait3A_80 = tpu.memref_slice %arg9[%add3A_60, %dma_wait3A_79] : memref<158x128xi32, #tpu.memory_space<vmem>> -> memref<1x128xi32, #tpu.memory_space<vmem>>
        %dma_wait3A_81 = tpu.memref_squeeze %dma_wait3A_80 : memref<1x128xi32, #tpu.memory_space<vmem>> -> memref<128xi32, #tpu.memory_space<vmem>>
        %dma_wait3A_82 = arith.constant 0 : i32
        %dma_wait3A_83 = arith.constant 0 : i32
        %dma_wait3A_84 = tpu.memref_slice %arg15[%dma_wait3A_82, %dma_wait3A_83] : memref<6144x128xf32, #tpu.memory_space<vmem_shared>> -> memref<6144x128xf32, #tpu.memory_space<vmem_shared>>
        tpu.wait_indirect_dma semaphore(%run_scoped3A : memref<!tpu.dma_semaphore, #tpu.memory_space<semaphore_mem>>) src(%arg12 : memref<128x128xf32, #tpu.memory_space<vmem>>) dst(%dma_wait3A_84 : memref<6144x128xf32, #tpu.memory_space<vmem_shared>>)
        tpu.yield
      }) : () -> ()
      %add3A_67 = arith.constant 2 : i32
      %add3A_68 = arith.addi %add3A_60, %add3A_67 : i32
      %lt3A_69 = arith.cmpi slt, %add3A_68, %squeeze3A : i32
      %convert_element_type3A_70 = arith.extui %lt3A_69 : i1 to i32
      %cond3A_71 = arith.constant 0 : i32
      %cond3A_72 = arith.cmpi ne, %convert_element_type3A_70, %cond3A_71 : i32
      scf.if %cond3A_72 {
        %add3A_73 = arith.constant 2 : i32
        %add3A_74 = arith.addi %add3A_60, %add3A_73 : i32
        %dma_start3A_75 = arith.constant 0 : i32
        %dma_start3A_76 = tpu.memref_slice %arg8[%add3A_74, %dma_start3A_75] : memref<158x128xi32, #tpu.memory_space<vmem>> -> memref<1x128xi32, #tpu.memory_space<vmem>>
        %dma_start3A_77 = tpu.memref_squeeze %dma_start3A_76 : memref<1x128xi32, #tpu.memory_space<vmem>> -> memref<128xi32, #tpu.memory_space<vmem>>
        %dma_start3A_78 = arith.constant 0 : i32
        %dma_start3A_79 = arith.constant 0 : i32
        %dma_start3A_80 = tpu.memref_slice %arg5[%dma_start3A_78, %dma_start3A_79] : memref<10000x128xf32, #tpu.memory_space<hbm>> -> memref<10000x128xf32, #tpu.memory_space<hbm>>
        tpu.enqueue_indirect_dma source(%dma_start3A_80 : memref<10000x128xf32, #tpu.memory_space<hbm>>) target(%arg12 : memref<128x128xf32, #tpu.memory_space<vmem>>) offsets(%dma_start3A_77 : memref<128xi32, #tpu.memory_space<vmem>>) semaphore(%arg14 : memref<!tpu.dma_semaphore, #tpu.memory_space<semaphore_mem>>)
      } else {
      }
    }
    %barrier3A_43 = arith.constant 0 : index
    tpu.barrier barrier_id(%barrier3A_43)
    "tpu.region"() ({
      %run_scoped3A = tpu.sem_alloc : memref<!tpu.dma_semaphore, #tpu.memory_space<semaphore_mem>>
      %dma_start3A_44 = arith.constant 0 : i32
      %dma_start3A_45 = arith.constant 0 : i32
      %dma_start3A_46 = tpu.memref_slice %arg7[%arg0, %dma_start3A_44, %dma_start3A_45] : memref<2x6144x128xf32, #tpu.memory_space<hbm>> -> memref<1x6144x128xf32, #tpu.memory_space<hbm>>
      %dma_start3A_47 = tpu.memref_squeeze %dma_start3A_46 : memref<1x6144x128xf32, #tpu.memory_space<hbm>> -> memref<6144x128xf32, #tpu.memory_space<hbm>>
      %dma_start3A_48 = arith.constant 0 : i32
      %dma_start3A_49 = tpu.memref_slice %dma_start3A_47[%mul3A_2, %dma_start3A_48] : memref<6144x128xf32, #tpu.memory_space<hbm>> -> memref<384x128xf32, #tpu.memory_space<hbm>>
      %dma_start3A_50 = arith.constant 0 : i32
      %dma_start3A_51 = tpu.memref_slice %arg15[%mul3A_2, %dma_start3A_50] : memref<6144x128xf32, #tpu.memory_space<vmem_shared>> -> memref<384x128xf32, #tpu.memory_space<vmem_shared>>
      tpu.enqueue_dma source(%dma_start3A_51 : memref<384x128xf32, #tpu.memory_space<vmem_shared>>) target(%dma_start3A_49 : memref<384x128xf32, #tpu.memory_space<hbm>>) target_semaphore(%run_scoped3A : memref<!tpu.dma_semaphore, #tpu.memory_space<semaphore_mem>>)
      %dma_wait3A = arith.constant 0 : i32
      %dma_wait3A_52 = arith.constant 0 : i32
      %dma_wait3A_53 = tpu.memref_slice %arg7[%arg0, %dma_wait3A, %dma_wait3A_52] : memref<2x6144x128xf32, #tpu.memory_space<hbm>> -> memref<1x6144x128xf32, #tpu.memory_space<hbm>>
      %dma_wait3A_54 = tpu.memref_squeeze %dma_wait3A_53 : memref<1x6144x128xf32, #tpu.memory_space<hbm>> -> memref<6144x128xf32, #tpu.memory_space<hbm>>
      %dma_wait3A_55 = arith.constant 0 : i32
      %dma_wait3A_56 = tpu.memref_slice %dma_wait3A_54[%mul3A_2, %dma_wait3A_55] : memref<6144x128xf32, #tpu.memory_space<hbm>> -> memref<384x128xf32, #tpu.memory_space<hbm>>
      %dma_wait3A_57 = arith.constant 0 : i32
      %dma_wait3A_58 = tpu.memref_slice %arg15[%mul3A_2, %dma_wait3A_57] : memref<6144x128xf32, #tpu.memory_space<vmem_shared>> -> memref<384x128xf32, #tpu.memory_space<vmem_shared>>
      tpu.wait_dma2 semaphore(%run_scoped3A : memref<!tpu.dma_semaphore, #tpu.memory_space<semaphore_mem>>) src(%dma_wait3A_58 : memref<384x128xf32, #tpu.memory_space<vmem_shared>>) dst(%dma_wait3A_56 : memref<384x128xf32, #tpu.memory_space<hbm>>)
      tpu.yield
    }) : () -> ()
    return
  }
}

module attributes {stable_mosaic.version = 14 : i64} {
  func.func @body(%arg0: i32, %arg1: memref<1x1000x128xf32, #tpu.memory_space<vmem>>, %arg2: memref<1x1000x1xf32, #tpu.memory_space<vmem>>, %arg3: memref<1000x128xf32, #tpu.memory_space<vmem>>, %arg4: memref<1000x128xf32, #tpu.memory_space<vmem>>, %arg5: memref<128x128xf32, #tpu.memory_space<vmem>>, %arg6: memref<128x128xf32, #tpu.memory_space<vmem>>, %arg7: memref<1x128xf32, #tpu.memory_space<vmem>>, %arg8: memref<1000x128xf32, #tpu.memory_space<vmem>>) attributes {dimension_semantics = [#tpu.dimension_semantics<arbitrary>], iteration_bounds = array<i64: 10>, scalar_prefetch = 0 : i64, scratch_operands = 0 : i64, tpu.core_type = #tpu.core_type<tc>, window_params = [{transform_indices = @transform_0, window_bounds = array<i64: 1, 1000, 128>}, {transform_indices = @transform_1, window_bounds = array<i64: 1, 1000, 1>}, {transform_indices = @transform_2, window_bounds = array<i64: 1000, 128>}, {transform_indices = @transform_3, window_bounds = array<i64: 1000, 128>}, {pipeline_mode = #tpu.pipeline_mode<synchronous>, transform_indices = @transform_4, window_bounds = array<i64: 128, 128>}, {pipeline_mode = #tpu.pipeline_mode<synchronous>, transform_indices = @transform_5, window_bounds = array<i64: 128, 128>}, {pipeline_mode = #tpu.pipeline_mode<synchronous>, transform_indices = @transform_6, window_bounds = array<i64: 1, 128>}, {transform_indices = @transform_7, window_bounds = array<i64: 1000, 128>}]} {
    %get3A = arith.constant 0 : index
    %get3A_0 = arith.constant 0 : index
    %get3A_1 = arith.constant 0 : index
    %get3A_2 = vector.load %arg1[%get3A, %get3A_0, %get3A_1] : memref<1x1000x128xf32, #tpu.memory_space<vmem>>, vector<1x1000x128xf32>
    %get3A_3 = vector.shape_cast %get3A_2 : vector<1x1000x128xf32> to vector<1000x128xf32>
    %get3A_4 = arith.constant 0 : index
    %get3A_5 = arith.constant 0 : index
    %get3A_6 = arith.constant 0 : index
    %get3A_7 = vector.load %arg2[%get3A_4, %get3A_5, %get3A_6] : memref<1x1000x1xf32, #tpu.memory_space<vmem>>, vector<1x1000x1xf32>
    %get3A_8 = vector.shape_cast %get3A_7 : vector<1x1000x1xf32> to vector<1000x1xf32>
    %max3A = arith.constant 1.000000e+00 : f32
    %max3A_9 = vector.broadcast %max3A : f32 to vector<1000x1xf32>
    %max3A_10 = arith.maximumf %get3A_8, %max3A_9 : vector<1000x1xf32>
    %div3A = vector.broadcast %max3A_10 : vector<1000x1xf32> to vector<1000x128xf32>
    %div3A_11 = arith.divf %get3A_3, %div3A : vector<1000x128xf32>
    %get3A_12 = arith.constant 0 : index
    %get3A_13 = arith.constant 0 : index
    %get3A_14 = vector.load %arg5[%get3A_12, %get3A_13] : memref<128x128xf32, #tpu.memory_space<vmem>>, vector<128x128xf32>
    %dot_general3A = arith.constant dense<0.000000e+00> : vector<1000x128xf32>
    %dot_general3A_15 = tpu.matmul %div3A_11, %get3A_14, %dot_general3A {dimension_numbers = #tpu.dot_dimension_numbers<[1], [0], [0], [1], [0, 0, 1, 1], [], []>, transpose_lhs_hint = false} : vector<1000x128xf32>, vector<128x128xf32>, vector<1000x128xf32> -> vector<1000x128xf32>
    %get3A_16 = arith.constant 0 : index
    %get3A_17 = arith.constant 0 : index
    %get3A_18 = vector.load %arg3[%get3A_16, %get3A_17] : memref<1000x128xf32, #tpu.memory_space<vmem>>, vector<1000x128xf32>
    %get3A_19 = arith.constant 0 : index
    %get3A_20 = arith.constant 0 : index
    %get3A_21 = vector.load %arg6[%get3A_19, %get3A_20] : memref<128x128xf32, #tpu.memory_space<vmem>>, vector<128x128xf32>
    %dot_general3A_22 = arith.constant dense<0.000000e+00> : vector<1000x128xf32>
    %dot_general3A_23 = tpu.matmul %get3A_18, %get3A_21, %dot_general3A_22 {dimension_numbers = #tpu.dot_dimension_numbers<[1], [0], [0], [1], [0, 0, 1, 1], [], []>, transpose_lhs_hint = false} : vector<1000x128xf32>, vector<128x128xf32>, vector<1000x128xf32> -> vector<1000x128xf32>
    %add3A = arith.addf %dot_general3A_15, %dot_general3A_23 : vector<1000x128xf32>
    %get3A_24 = arith.constant 0 : index
    %get3A_25 = arith.constant 0 : index
    %get3A_26 = vector.load %arg7[%get3A_24, %get3A_25] : memref<1x128xf32, #tpu.memory_space<vmem>>, vector<1x128xf32>
    %add3A_27 = vector.broadcast %get3A_26 : vector<1x128xf32> to vector<1000x128xf32>
    %add3A_28 = arith.addf %add3A, %add3A_27 : vector<1000x128xf32>
    %mul3A = arith.constant 5.000000e-01 : f32
    %mul3A_29 = vector.broadcast %mul3A : f32 to vector<1000x128xf32>
    %mul3A_30 = arith.mulf %mul3A_29, %add3A_28 : vector<1000x128xf32>
    %get3A_31 = arith.constant 0 : index
    %get3A_32 = arith.constant 0 : index
    %get3A_33 = vector.load %arg4[%get3A_31, %get3A_32] : memref<1000x128xf32, #tpu.memory_space<vmem>>, vector<1000x128xf32>
    %mul3A_34 = arith.constant 5.000000e-01 : f32
    %mul3A_35 = vector.broadcast %mul3A_34 : f32 to vector<1000x128xf32>
    %mul3A_36 = arith.mulf %mul3A_35, %get3A_33 : vector<1000x128xf32>
    %add3A_37 = arith.addf %mul3A_30, %mul3A_36 : vector<1000x128xf32>
    %swap3A = arith.constant 0 : index
    %swap3A_38 = arith.constant 0 : index
    %swap3A_39 = vector.load %arg8[%swap3A, %swap3A_38] : memref<1000x128xf32, #tpu.memory_space<vmem>>, vector<1000x128xf32>
    tpu.vector_store %arg8[%swap3A, %swap3A_38], %add3A_37 {strides = array<i32>} : memref<1000x128xf32, #tpu.memory_space<vmem>>, vector<1000x128xf32>,
    return
  }
  func.func @transform_0(%arg0: i32) -> (i32, i32, i32) {
    %jit3A = arith.constant 5 : i32
    %div3A = arith.divsi %arg0, %jit3A : i32
    %sign3A = arith.constant 0 : i32
    %sign3A_0 = arith.cmpi sgt, %arg0, %sign3A : i32
    %sign3A_1 = arith.extui %sign3A_0 : i1 to i32
    %sign3A_2 = arith.constant 0 : i32
    %sign3A_3 = arith.cmpi slt, %arg0, %sign3A_2 : i32
    %sign3A_4 = arith.extui %sign3A_3 : i1 to i32
    %sign3A_5 = arith.subi %sign3A_1, %sign3A_4 : i32
    %sign3A_6 = arith.constant 0 : i32
    %sign3A_7 = arith.cmpi sgt, %jit3A, %sign3A_6 : i32
    %sign3A_8 = arith.extui %sign3A_7 : i1 to i32
    %sign3A_9 = arith.constant 0 : i32
    %sign3A_10 = arith.cmpi slt, %jit3A, %sign3A_9 : i32
    %sign3A_11 = arith.extui %sign3A_10 : i1 to i32
    %sign3A_12 = arith.subi %sign3A_8, %sign3A_11 : i32
    %ne3A = arith.cmpi ne, %sign3A_5, %sign3A_12 : i32
    %rem3A = arith.remsi %arg0, %jit3A : i32
    %ne3A_13 = arith.constant 0 : i32
    %ne3A_14 = arith.cmpi ne, %rem3A, %ne3A_13 : i32
    %and3A = arith.andi %ne3A, %ne3A_14 : i1
    %sub3A = arith.constant 1 : i32
    %sub3A_15 = arith.subi %div3A, %sub3A : i32
    %select_n3A = arith.select %and3A, %sub3A_15, %div3A : i32
    %jit3A_16 = arith.constant 5 : i32
    %eq3A = arith.constant 0 : i32
    %eq3A_17 = arith.cmpi eq, %jit3A_16, %eq3A : i32
    %jit3A_18 = arith.constant 1 : i32
    %select_n3A_19 = arith.select %eq3A_17, %jit3A_18, %jit3A_16 : i32
    %rem3A_20 = arith.remsi %arg0, %select_n3A_19 : i32
    %ne3A_21 = arith.constant 0 : i32
    %ne3A_22 = arith.cmpi ne, %rem3A_20, %ne3A_21 : i32
    %lt3A = arith.constant 0 : i32
    %lt3A_23 = arith.cmpi slt, %rem3A_20, %lt3A : i32
    %lt3A_24 = arith.constant 0 : i32
    %lt3A_25 = arith.cmpi slt, %select_n3A_19, %lt3A_24 : i32
    %ne3A_26 = arith.xori %lt3A_23, %lt3A_25 : i1
    %and3A_27 = arith.andi %ne3A_26, %ne3A_22 : i1
    %add3A = arith.addi %rem3A_20, %select_n3A_19 : i32
    %select_n3A_28 = arith.select %and3A_27, %add3A, %rem3A_20 : i32
    %c0_i32 = arith.constant 0 : i32
    %c0_i32_29 = arith.constant 0 : i32
    return %select_n3A, %select_n3A_28, %c0_i32 : i32, i32, i32
  }
  func.func @transform_1(%arg0: i32) -> (i32, i32, i32) {
    %jit3A = arith.constant 5 : i32
    %div3A = arith.divsi %arg0, %jit3A : i32
    %sign3A = arith.constant 0 : i32
    %sign3A_0 = arith.cmpi sgt, %arg0, %sign3A : i32
    %sign3A_1 = arith.extui %sign3A_0 : i1 to i32
    %sign3A_2 = arith.constant 0 : i32
    %sign3A_3 = arith.cmpi slt, %arg0, %sign3A_2 : i32
    %sign3A_4 = arith.extui %sign3A_3 : i1 to i32
    %sign3A_5 = arith.subi %sign3A_1, %sign3A_4 : i32
    %sign3A_6 = arith.constant 0 : i32
    %sign3A_7 = arith.cmpi sgt, %jit3A, %sign3A_6 : i32
    %sign3A_8 = arith.extui %sign3A_7 : i1 to i32
    %sign3A_9 = arith.constant 0 : i32
    %sign3A_10 = arith.cmpi slt, %jit3A, %sign3A_9 : i32
    %sign3A_11 = arith.extui %sign3A_10 : i1 to i32
    %sign3A_12 = arith.subi %sign3A_8, %sign3A_11 : i32
    %ne3A = arith.cmpi ne, %sign3A_5, %sign3A_12 : i32
    %rem3A = arith.remsi %arg0, %jit3A : i32
    %ne3A_13 = arith.constant 0 : i32
    %ne3A_14 = arith.cmpi ne, %rem3A, %ne3A_13 : i32
    %and3A = arith.andi %ne3A, %ne3A_14 : i1
    %sub3A = arith.constant 1 : i32
    %sub3A_15 = arith.subi %div3A, %sub3A : i32
    %select_n3A = arith.select %and3A, %sub3A_15, %div3A : i32
    %jit3A_16 = arith.constant 5 : i32
    %eq3A = arith.constant 0 : i32
    %eq3A_17 = arith.cmpi eq, %jit3A_16, %eq3A : i32
    %jit3A_18 = arith.constant 1 : i32
    %select_n3A_19 = arith.select %eq3A_17, %jit3A_18, %jit3A_16 : i32
    %rem3A_20 = arith.remsi %arg0, %select_n3A_19 : i32
    %ne3A_21 = arith.constant 0 : i32
    %ne3A_22 = arith.cmpi ne, %rem3A_20, %ne3A_21 : i32
    %lt3A = arith.constant 0 : i32
    %lt3A_23 = arith.cmpi slt, %rem3A_20, %lt3A : i32
    %lt3A_24 = arith.constant 0 : i32
    %lt3A_25 = arith.cmpi slt, %select_n3A_19, %lt3A_24 : i32
    %ne3A_26 = arith.xori %lt3A_23, %lt3A_25 : i1
    %and3A_27 = arith.andi %ne3A_26, %ne3A_22 : i1
    %add3A = arith.addi %rem3A_20, %select_n3A_19 : i32
    %select_n3A_28 = arith.select %and3A_27, %add3A, %rem3A_20 : i32
    %c0_i32 = arith.constant 0 : i32
    %c0_i32_29 = arith.constant 0 : i32
    return %select_n3A, %select_n3A_28, %c0_i32 : i32, i32, i32
  }
  func.func @transform_2(%arg0: i32) -> (i32, i32) {
    %c0_i32 = arith.constant 0 : i32
    %c0_i32_0 = arith.constant 0 : i32
    return %arg0, %c0_i32 : i32, i32
  }
  func.func @transform_3(%arg0: i32) -> (i32, i32) {
    %c0_i32 = arith.constant 0 : i32
    %c0_i32_0 = arith.constant 0 : i32
    return %arg0, %c0_i32 : i32, i32
  }
  func.func @transform_4(%arg0: i32) -> (i32, i32) {
    %c0_i32 = arith.constant 0 : i32
    %c0_i32_0 = arith.constant 0 : i32
    %c0_i32_1 = arith.constant 0 : i32
    return %c0_i32, %c0_i32_0 : i32, i32
  }
  func.func @transform_5(%arg0: i32) -> (i32, i32) {
    %c0_i32 = arith.constant 0 : i32
    %c0_i32_0 = arith.constant 0 : i32
    %c0_i32_1 = arith.constant 0 : i32
    return %c0_i32, %c0_i32_0 : i32, i32
  }
  func.func @transform_6(%arg0: i32) -> (i32, i32) {
    %c0_i32 = arith.constant 0 : i32
    %c0_i32_0 = arith.constant 0 : i32
    %c0_i32_1 = arith.constant 0 : i32
    return %c0_i32, %c0_i32_0 : i32, i32
  }
  func.func @transform_7(%arg0: i32) -> (i32, i32) {
    %c0_i32 = arith.constant 0 : i32
    %c0_i32_0 = arith.constant 0 : i32
    return %arg0, %c0_i32 : i32, i32
  }
}

module attributes {stable_mosaic.version = 14 : i64} {
  func.func @body_noblend(%arg0: i32, %arg1: memref<1x1000x128xf32, #tpu.memory_space<vmem>>, %arg2: memref<1x1000x1xf32, #tpu.memory_space<vmem>>, %arg3: memref<1000x128xf32, #tpu.memory_space<vmem>>, %arg4: memref<128x128xf32, #tpu.memory_space<vmem>>, %arg5: memref<128x128xf32, #tpu.memory_space<vmem>>, %arg6: memref<1x128xf32, #tpu.memory_space<vmem>>, %arg7: memref<1000x128xf32, #tpu.memory_space<vmem>>) attributes {dimension_semantics = [#tpu.dimension_semantics<arbitrary>], iteration_bounds = array<i64: 10>, scalar_prefetch = 0 : i64, scratch_operands = 0 : i64, tpu.core_type = #tpu.core_type<tc>, window_params = [{transform_indices = @transform_0, window_bounds = array<i64: 1, 1000, 128>}, {transform_indices = @transform_1, window_bounds = array<i64: 1, 1000, 1>}, {transform_indices = @transform_2, window_bounds = array<i64: 1000, 128>}, {pipeline_mode = #tpu.pipeline_mode<synchronous>, transform_indices = @transform_3, window_bounds = array<i64: 128, 128>}, {pipeline_mode = #tpu.pipeline_mode<synchronous>, transform_indices = @transform_4, window_bounds = array<i64: 128, 128>}, {pipeline_mode = #tpu.pipeline_mode<synchronous>, transform_indices = @transform_5, window_bounds = array<i64: 1, 128>}, {transform_indices = @transform_6, window_bounds = array<i64: 1000, 128>}]} {
    %get3A = arith.constant 0 : index
    %get3A_0 = arith.constant 0 : index
    %get3A_1 = arith.constant 0 : index
    %get3A_2 = vector.load %arg1[%get3A, %get3A_0, %get3A_1] : memref<1x1000x128xf32, #tpu.memory_space<vmem>>, vector<1x1000x128xf32>
    %get3A_3 = vector.shape_cast %get3A_2 : vector<1x1000x128xf32> to vector<1000x128xf32>
    %get3A_4 = arith.constant 0 : index
    %get3A_5 = arith.constant 0 : index
    %get3A_6 = arith.constant 0 : index
    %get3A_7 = vector.load %arg2[%get3A_4, %get3A_5, %get3A_6] : memref<1x1000x1xf32, #tpu.memory_space<vmem>>, vector<1x1000x1xf32>
    %get3A_8 = vector.shape_cast %get3A_7 : vector<1x1000x1xf32> to vector<1000x1xf32>
    %max3A = arith.constant 1.000000e+00 : f32
    %max3A_9 = vector.broadcast %max3A : f32 to vector<1000x1xf32>
    %max3A_10 = arith.maximumf %get3A_8, %max3A_9 : vector<1000x1xf32>
    %div3A = vector.broadcast %max3A_10 : vector<1000x1xf32> to vector<1000x128xf32>
    %div3A_11 = arith.divf %get3A_3, %div3A : vector<1000x128xf32>
    %get3A_12 = arith.constant 0 : index
    %get3A_13 = arith.constant 0 : index
    %get3A_14 = vector.load %arg4[%get3A_12, %get3A_13] : memref<128x128xf32, #tpu.memory_space<vmem>>, vector<128x128xf32>
    %dot_general3A = arith.constant dense<0.000000e+00> : vector<1000x128xf32>
    %dot_general3A_15 = tpu.matmul %div3A_11, %get3A_14, %dot_general3A {dimension_numbers = #tpu.dot_dimension_numbers<[1], [0], [0], [1], [0, 0, 1, 1], [], []>, transpose_lhs_hint = false} : vector<1000x128xf32>, vector<128x128xf32>, vector<1000x128xf32> -> vector<1000x128xf32>
    %get3A_16 = arith.constant 0 : index
    %get3A_17 = arith.constant 0 : index
    %get3A_18 = vector.load %arg3[%get3A_16, %get3A_17] : memref<1000x128xf32, #tpu.memory_space<vmem>>, vector<1000x128xf32>
    %get3A_19 = arith.constant 0 : index
    %get3A_20 = arith.constant 0 : index
    %get3A_21 = vector.load %arg5[%get3A_19, %get3A_20] : memref<128x128xf32, #tpu.memory_space<vmem>>, vector<128x128xf32>
    %dot_general3A_22 = arith.constant dense<0.000000e+00> : vector<1000x128xf32>
    %dot_general3A_23 = tpu.matmul %get3A_18, %get3A_21, %dot_general3A_22 {dimension_numbers = #tpu.dot_dimension_numbers<[1], [0], [0], [1], [0, 0, 1, 1], [], []>, transpose_lhs_hint = false} : vector<1000x128xf32>, vector<128x128xf32>, vector<1000x128xf32> -> vector<1000x128xf32>
    %add3A = arith.addf %dot_general3A_15, %dot_general3A_23 : vector<1000x128xf32>
    %get3A_24 = arith.constant 0 : index
    %get3A_25 = arith.constant 0 : index
    %get3A_26 = vector.load %arg6[%get3A_24, %get3A_25] : memref<1x128xf32, #tpu.memory_space<vmem>>, vector<1x128xf32>
    %add3A_27 = vector.broadcast %get3A_26 : vector<1x128xf32> to vector<1000x128xf32>
    %add3A_28 = arith.addf %add3A, %add3A_27 : vector<1000x128xf32>
    %swap3A = arith.constant 0 : index
    %swap3A_29 = arith.constant 0 : index
    %swap3A_30 = vector.load %arg7[%swap3A, %swap3A_29] : memref<1000x128xf32, #tpu.memory_space<vmem>>, vector<1000x128xf32>
    tpu.vector_store %arg7[%swap3A, %swap3A_29], %add3A_28 {strides = array<i32>} : memref<1000x128xf32, #tpu.memory_space<vmem>>, vector<1000x128xf32>,
    return
  }
  func.func @transform_0(%arg0: i32) -> (i32, i32, i32) {
    %jit3A = arith.constant 5 : i32
    %div3A = arith.divsi %arg0, %jit3A : i32
    %sign3A = arith.constant 0 : i32
    %sign3A_0 = arith.cmpi sgt, %arg0, %sign3A : i32
    %sign3A_1 = arith.extui %sign3A_0 : i1 to i32
    %sign3A_2 = arith.constant 0 : i32
    %sign3A_3 = arith.cmpi slt, %arg0, %sign3A_2 : i32
    %sign3A_4 = arith.extui %sign3A_3 : i1 to i32
    %sign3A_5 = arith.subi %sign3A_1, %sign3A_4 : i32
    %sign3A_6 = arith.constant 0 : i32
    %sign3A_7 = arith.cmpi sgt, %jit3A, %sign3A_6 : i32
    %sign3A_8 = arith.extui %sign3A_7 : i1 to i32
    %sign3A_9 = arith.constant 0 : i32
    %sign3A_10 = arith.cmpi slt, %jit3A, %sign3A_9 : i32
    %sign3A_11 = arith.extui %sign3A_10 : i1 to i32
    %sign3A_12 = arith.subi %sign3A_8, %sign3A_11 : i32
    %ne3A = arith.cmpi ne, %sign3A_5, %sign3A_12 : i32
    %rem3A = arith.remsi %arg0, %jit3A : i32
    %ne3A_13 = arith.constant 0 : i32
    %ne3A_14 = arith.cmpi ne, %rem3A, %ne3A_13 : i32
    %and3A = arith.andi %ne3A, %ne3A_14 : i1
    %sub3A = arith.constant 1 : i32
    %sub3A_15 = arith.subi %div3A, %sub3A : i32
    %select_n3A = arith.select %and3A, %sub3A_15, %div3A : i32
    %jit3A_16 = arith.constant 5 : i32
    %eq3A = arith.constant 0 : i32
    %eq3A_17 = arith.cmpi eq, %jit3A_16, %eq3A : i32
    %jit3A_18 = arith.constant 1 : i32
    %select_n3A_19 = arith.select %eq3A_17, %jit3A_18, %jit3A_16 : i32
    %rem3A_20 = arith.remsi %arg0, %select_n3A_19 : i32
    %ne3A_21 = arith.constant 0 : i32
    %ne3A_22 = arith.cmpi ne, %rem3A_20, %ne3A_21 : i32
    %lt3A = arith.constant 0 : i32
    %lt3A_23 = arith.cmpi slt, %rem3A_20, %lt3A : i32
    %lt3A_24 = arith.constant 0 : i32
    %lt3A_25 = arith.cmpi slt, %select_n3A_19, %lt3A_24 : i32
    %ne3A_26 = arith.xori %lt3A_23, %lt3A_25 : i1
    %and3A_27 = arith.andi %ne3A_26, %ne3A_22 : i1
    %add3A = arith.addi %rem3A_20, %select_n3A_19 : i32
    %select_n3A_28 = arith.select %and3A_27, %add3A, %rem3A_20 : i32
    %c0_i32 = arith.constant 0 : i32
    %c0_i32_29 = arith.constant 0 : i32
    return %select_n3A, %select_n3A_28, %c0_i32 : i32, i32, i32
  }
  func.func @transform_1(%arg0: i32) -> (i32, i32, i32) {
    %jit3A = arith.constant 5 : i32
    %div3A = arith.divsi %arg0, %jit3A : i32
    %sign3A = arith.constant 0 : i32
    %sign3A_0 = arith.cmpi sgt, %arg0, %sign3A : i32
    %sign3A_1 = arith.extui %sign3A_0 : i1 to i32
    %sign3A_2 = arith.constant 0 : i32
    %sign3A_3 = arith.cmpi slt, %arg0, %sign3A_2 : i32
    %sign3A_4 = arith.extui %sign3A_3 : i1 to i32
    %sign3A_5 = arith.subi %sign3A_1, %sign3A_4 : i32
    %sign3A_6 = arith.constant 0 : i32
    %sign3A_7 = arith.cmpi sgt, %jit3A, %sign3A_6 : i32
    %sign3A_8 = arith.extui %sign3A_7 : i1 to i32
    %sign3A_9 = arith.constant 0 : i32
    %sign3A_10 = arith.cmpi slt, %jit3A, %sign3A_9 : i32
    %sign3A_11 = arith.extui %sign3A_10 : i1 to i32
    %sign3A_12 = arith.subi %sign3A_8, %sign3A_11 : i32
    %ne3A = arith.cmpi ne, %sign3A_5, %sign3A_12 : i32
    %rem3A = arith.remsi %arg0, %jit3A : i32
    %ne3A_13 = arith.constant 0 : i32
    %ne3A_14 = arith.cmpi ne, %rem3A, %ne3A_13 : i32
    %and3A = arith.andi %ne3A, %ne3A_14 : i1
    %sub3A = arith.constant 1 : i32
    %sub3A_15 = arith.subi %div3A, %sub3A : i32
    %select_n3A = arith.select %and3A, %sub3A_15, %div3A : i32
    %jit3A_16 = arith.constant 5 : i32
    %eq3A = arith.constant 0 : i32
    %eq3A_17 = arith.cmpi eq, %jit3A_16, %eq3A : i32
    %jit3A_18 = arith.constant 1 : i32
    %select_n3A_19 = arith.select %eq3A_17, %jit3A_18, %jit3A_16 : i32
    %rem3A_20 = arith.remsi %arg0, %select_n3A_19 : i32
    %ne3A_21 = arith.constant 0 : i32
    %ne3A_22 = arith.cmpi ne, %rem3A_20, %ne3A_21 : i32
    %lt3A = arith.constant 0 : i32
    %lt3A_23 = arith.cmpi slt, %rem3A_20, %lt3A : i32
    %lt3A_24 = arith.constant 0 : i32
    %lt3A_25 = arith.cmpi slt, %select_n3A_19, %lt3A_24 : i32
    %ne3A_26 = arith.xori %lt3A_23, %lt3A_25 : i1
    %and3A_27 = arith.andi %ne3A_26, %ne3A_22 : i1
    %add3A = arith.addi %rem3A_20, %select_n3A_19 : i32
    %select_n3A_28 = arith.select %and3A_27, %add3A, %rem3A_20 : i32
    %c0_i32 = arith.constant 0 : i32
    %c0_i32_29 = arith.constant 0 : i32
    return %select_n3A, %select_n3A_28, %c0_i32 : i32, i32, i32
  }
  func.func @transform_2(%arg0: i32) -> (i32, i32) {
    %c0_i32 = arith.constant 0 : i32
    %c0_i32_0 = arith.constant 0 : i32
    return %arg0, %c0_i32 : i32, i32
  }
  func.func @transform_3(%arg0: i32) -> (i32, i32) {
    %c0_i32 = arith.constant 0 : i32
    %c0_i32_0 = arith.constant 0 : i32
    %c0_i32_1 = arith.constant 0 : i32
    return %c0_i32, %c0_i32_0 : i32, i32
  }
  func.func @transform_4(%arg0: i32) -> (i32, i32) {
    %c0_i32 = arith.constant 0 : i32
    %c0_i32_0 = arith.constant 0 : i32
    %c0_i32_1 = arith.constant 0 : i32
    return %c0_i32, %c0_i32_0 : i32, i32
  }
  func.func @transform_5(%arg0: i32) -> (i32, i32) {
    %c0_i32 = arith.constant 0 : i32
    %c0_i32_0 = arith.constant 0 : i32
    %c0_i32_1 = arith.constant 0 : i32
    return %c0_i32, %c0_i32_0 : i32, i32
  }
  func.func @transform_6(%arg0: i32) -> (i32, i32) {
    %c0_i32 = arith.constant 0 : i32
    %c0_i32_0 = arith.constant 0 : i32
    return %arg0, %c0_i32 : i32, i32
  }
}

</mosaic_0001>

<sc_bundles>
// kernel: kernel.10.cloned.1.call-start
scs
__scs_entry_jumppad:
0x0: {  	(pc) =	sbr.rel $0x88, $3  }
0x1: {  	(tag) =	ssettag $0x0;
	lr =	simm.s32 $0x1  }
0x2: {  	[smem:$0x3F98] =	sst lr;
	_ =	strace $0xD0000000  }
0x3: {  	_ = 	snop  }
0x4: {  	_ = 	snop  }
0x5: {  	_ = 	snop  }
0x6: {  	_ = 	snop  }
0x7: {  	_ = 	snop  }
__scs_overlays_trampoline_lowered:
0x8: {  	[smem:$0x3FA7] =	sst s0  }
0x9: {  	[smem:$0x3FA8] =	sst s1  }
0xa: {  	[smem:$0x3FA9] =	sst s2  }
0xb: {  	[smem:$0x3FAA] =	sst s3  }
0xc: {  	[smem:$0x3FAB] =	sst s4  }
0xd: {  	[smem:$0x3FAC] =	sst s5  }
0xe: {  	[smem:$0x3FAD] =	sst s6  }
0xf: {  	[smem:$0x3FAE] =	sst s7  }
0x10: {  	[smem:$0x3FAF] =	sst s8  }
0x11: {  	[smem:$0x3FB0] =	sst s9;
	s0 =	simm.s32 @!p0 $0x0  }
0x12: {  	s1 =	sld [smem:$0x3F96];
	s0 =	simm.s32 @p0 $0x1  }
0x13: {  	[smem:$0x3FB1] =	sst s0;
	s0 =	simm.s32 @!p1 $0x0  }
0x14: {  	s2 =	sld [smem:$0x3F95];
	s0 =	simm.s32 @p1 $0x1  }
0x15: {  	[smem:$0x3FB2] =	sst s0;
	s0 =	simm.s32 @!p2 $0x0  }
0x16: {  	s3 =	sld [smem:$0x3FDB];
	s0 =	simm.s32 @p2 $0x1  }
0x17: {  	s4 =	simm.s32 $0x1BF5;
	[smem:$0x3FB4] =	sst s0  }
0x18: {  	s0 =	sld [smem:$0x3F97];
	_ =	swait.ge [sflag:s4], $0x0  }
0x19: {  	s7 =	sld [smem:$0x3F98]  }
0x1a: {  	s8 =	sadd.s32 $0xFFFFE003, lr  }
0x1b: {  	s9 =	sadd.s32 $0xFFFFFEF7, lr;
	s5 =	simm.s32 $0xFFFFFFFF;
	p2 =	slt.u32 s8, $0xFFFFF086  }
0x1c: {  	p1 =	slt.u32 s9, $0xF7A;
	s5 =	simm.s32 @!p2 $0x0  }
0x1d: {  	s5 =	simm.s32 @p1 $0x1;
	p0 =	seq.s32 s7, s2  }
0x1e: {  	s7 =	smul.u32 @!p0 $0xF7A, s2;
	p2 =	seq.s32 @!p0 s5, $0x0  }
0x1f: {  	s9 =	smul.u32 $0xF7A, s1;
	s8 =	simm.s32 @!p0 $0x1BF5;
	p2 =	por !p2, p0  }
0x20: {  	[sflag:s8] =	ssyncset.s32 @!p0 $0xFFFFF086;
	s6 =	sadd.s32 @!p0 s3, s7;
	s7 =	simm.s32 @!p0 $0x108  }
0x21: {  	s3 =	sadd.s32 s3, s9;
	s6 =	sadd.s32 @!p0 $0x88, s6;
	s7 =	simm.s32 @p2 $0x1082  }
0x22: {  	[simem:s7], [sflag:s8] =	dma.local @!p0 [hbm:s6], $0xF7A  }
0x23: {  	s9 =	sor.u32 $0xD0000000, s2;
	s6 =	simm.s32 $0x108;
	_ =	swait.ge @!p0 [sflag:s8], $0x0  }
0x24: {  	s3 =	sadd.s32 $0x88, s3;
	s6 =	simm.s32 @!p1 $0x1082;
	[sflag:s4] =	ssyncset.s32 $0xFFFFF086  }
0x25: {  	[simem:s6], [sflag:s4] =	dma.local [hbm:s3], $0xF7A  }
0x26: {  	[smem:$0x3F98] =	sst s1;
	(tag) =	ssettag s2;
	_ =	strace s9  }
0x27: {  	s1 =	sld [smem:$0x3FA8]  }
0x28: {  	s2 =	sld [smem:$0x3FA9]  }
0x29: {  	s4 =	sld [smem:$0x3FAB]  }
0x2a: {  	p0 =	seq.s32 s5, $0x0;
	s5 =	sld [smem:$0x3FAC]  }
0x2b: {  	s6 =	sld [smem:$0x3FAD]  }
0x2c: {  	s7 =	sld [smem:$0x3FAE]  }
0x2d: {  	s3 =	simm.s32 $0x108;
	s8 =	sld [smem:$0x3FAF]  }
0x2e: {  	s3 =	simm.s32 @!p0 $0x1082;
	s9 =	sld [smem:$0x3FB0]  }
0x2f: {  	lr =	sadd.s32 s0, s3;
	s0 =	sld [smem:$0x3FA7]  }
0x30: {  	s3 =	sld [smem:$0x3FAA]  }
0x31: {  	[smem:$0x3FB3] =	sst s10  }
0x32: {  	s10 =	sld [smem:$0x3FB1];
	_ =	sdelay $0x3  }
0x33: {  	p0 =	seq.s32 s10, $0x1;
	s10 =	sld [smem:$0x3FB3];
	_ =	sdelay $0x3  }
0x34: {  	[smem:$0x3FB3] =	sst s10  }
0x35: {  	s10 =	sld [smem:$0x3FB2];
	_ =	sdelay $0x3  }
0x36: {  	p1 =	seq.s32 s10, $0x1;
	s10 =	sld [smem:$0x3FB3];
	_ =	sdelay $0x3  }
0x37: {  	[smem:$0x3FB3] =	sst s10  }
0x38: {  	s10 =	sld [smem:$0x3FB4]  }
0x39: {  	_ = 	snop;
	(pc) =	sbr.ind lr, $3  }
0x3a: {  	_ = 	snop  }
0x3b: {  	_ = 	snop  }
0x3c: {  	p2 =	seq.s32 s10, $0x1;
	s10 =	sld [smem:$0x3FB3]  }
0x3d: {  	_ =	shalt  }
0x3e: {  	_ =	shalt  }
0x3f: {  	_ =	shalt  }
0x40: {  	_ =	shalt  }
0x41: {  	_ =	shalt  }
0x42: {  	_ =	shalt  }
0x43: {  	_ =	shalt  }
0x44: {  	_ =	shalt  }
0x45: {  	_ =	shalt  }
0x46: {  	_ =	shalt  }
0x47: {  	_ =	shalt  }
0x48: {  	_ =	shalt  }
0x49: {  	_ =	shalt  }
0x4a: {  	_ =	shalt  }
0x4b: {  	_ =	shalt  }
0x4c: {  	_ =	shalt  }
0x4d: {  	_ =	shalt  }
0x4e: {  	_ =	shalt  }
0x4f: {  	_ =	shalt  }
0x50: {  	_ =	shalt  }
0x51: {  	_ =	shalt  }
0x52: {  	_ =	shalt  }
0x53: {  	_ =	shalt  }
0x54: {  	_ =	shalt  }
0x55: {  	_ =	shalt  }
0x56: {  	_ =	shalt  }
0x57: {  	_ =	shalt  }
0x58: {  	_ =	shalt  }
0x59: {  	_ =	shalt  }
0x5a: {  	_ =	shalt  }
0x5b: {  	_ =	shalt  }
0x5c: {  	_ =	shalt  }
0x5d: {  	_ =	shalt  }
0x5e: {  	_ =	shalt  }
0x5f: {  	_ =	shalt  }
0x60: {  	_ =	shalt  }
0x61: {  	_ =	shalt  }
0x62: {  	_ =	shalt  }
0x63: {  	_ =	shalt  }
0x64: {  	_ =	shalt  }
0x65: {  	_ =	shalt  }
0x66: {  	_ =	shalt  }
0x67: {  	_ =	shalt  }
0x68: {  	_ =	shalt  }
0x69: {  	_ =	shalt  }
0x6a: {  	_ =	shalt  }
0x6b: {  	_ =	shalt  }
0x6c: {  	_ =	shalt  }
0x6d: {  	_ =	shalt  }
0x6e: {  	_ =	shalt  }
0x6f: {  	_ =	shalt  }
0x70: {  	_ =	shalt  }
0x71: {  	_ =	shalt  }
0x72: {  	_ =	shalt  }
0x73: {  	_ =	shalt  }
0x74: {  	_ =	shalt  }
0x75: {  	_ =	shalt  }
0x76: {  	_ =	shalt  }
0x77: {  	_ =	shalt  }
0x78: {  	_ =	shalt  }
0x79: {  	_ =	shalt  }
0x7a: {  	_ =	shalt  }
0x7b: {  	_ =	shalt  }
0x7c: {  	_ =	shalt  }
0x7d: {  	_ =	shalt  }
0x7e: {  	_ =	shalt  }
0x7f: {  	_ =	shalt  }
0x80: {  	_ =	shalt  }
0x81: {  	_ =	shalt  }
0x82: {  	_ =	shalt  }
0x83: {  	_ =	shalt  }
0x84: {  	_ =	shalt  }
0x85: {  	_ =	shalt  }
0x86: {  	_ =	shalt  }
0x87: {  	_ =	shalt  }
.Lfunc_end0:
.L_simem_size_0:
called_computation.1_lowered:
.L_overlay_start_0:
0x88: {  	s2 =	sld [smem:$0x3FD9]  }
0x89: {  	s3 =	sld [smem:$0x3FFE];
	_ =	sdelay $0x1  }
0x8a: {  	s1 =	srdreg.scid  }
0x8b: {  	s0 =	sand.u32 $0x1, s1  }
0x8c: {  	s17 =	sshll.u32 s0, $0xA;
	s2 =	sadd.s32 s3, s2  }
0x8d: {  	s2 =	sadd.s32 s2, s17  }
0x8e: {  	[smem:$0x3FBF] =	sst s2  }
0x8f: {  	_ = 	snop  }
0x90: {  	s2 =	sld [smem:$0x3FC8]  }
0x91: {  	s18 =	sld [smem:$0x3FD0];
	(tm) =	ssettm $0x1  }
0x92: {  	s4 =	sld [smem:$0x3FFB];
	_ =	sdelay $0x3  }
0x93: {  	_ =	strace s4  }
0x94: {  	s4 =	sld [smem:$0x3FFC];
	_ =	sdelay $0x3  }
0x95: {  	_ =	strace s4  }
0x96: {  	s4 =	sld [smem:$0x3FFD];
	_ =	sdelay $0x3  }
0x97: {  	_ =	strace s4  }
0x98: {  	_ =	strace $0x8FFFFFFF  }
0x99: {  	s19 =	sld [smem:$0x3FDB];
	_ =	sdelay $0x1  }
0x9a: {  	s5 =	simm.s32 $_scs_section_size  }
0x9b: {  	s6 =	simm.s32 $_size__tile_overlayer_lowered;
	s7 =	simm.s32 $_tile_overlayer_lowered  }
0x9c: {  	s22 =	simm.s32 $0x1BFF;
	s21 =	sshll.u32 s7, $0x1;
	s4 =	sadd.s32 s5, s19  }
0x9d: {  	s8 =	simm.s32 $0x0;
	s20 =	sshll.u32 s6, $0x1;
	s6 =	sadd.s32 s21, s4  }
0x9e: {  	[timem:s8], [sflag:s22] =	dma.local [hbm:s6], s20  }
0x9f: {  	_ =	swait.ge [sflag:s22], s20  }
0xa0: {  	s5 =	ssub.s32 $0x0, s20;
	[sflag:s22] =	ssyncset.done $0x0  }
0xa1: {  	[sflag:s22] =	ssyncadd.s32 s5;
	_ =	sdelay $0x1  }
0xa2: {  	s23 =	simm.s32 $0x1B8B  }
0xa3: {  	_ =	swait.ge [sflag:s23], $0x1  }
0xa4: {  	[sflag:s23] =	ssyncset.done $0x0  }
0xa5: {  	s25 =	simm.s32 $0x1B8E;
	s24 =	sld [smem:$0x3FFE];
	[sflag:s23] =	ssyncadd.s32 $0xFFFFFFFF  }
0xa6: {  	s26 =	simm.s32 $execute0_lowered;
	[smem:$0x3FD2] =	sst s25  }
0xa7: {  	s6 =	sshll.u32 s26, $0x1;
	_ =	strace $0x80000049;
	[dreg:$0x1] =	wrdreg $0xFFFFFFFF  }
0xa8: {  	s28 =	simm.s32 $_size_execute0_lowered;
	s4 =	sadd.s32 s4, s6;
	[dreg:$0x0] =	wrdreg $0x0  }
0xa9: {  	s6 =	sshll.u32 s28, $0x1;
	[dreg:$0x2] =	wrdreg s4  }
0xaa: {  	[dreg:$0x3] =	wrdreg s6  }
0xab: {  	[dreg:$0x4] =	wrdreg $0xC0  }
0xac: {  	_ =	task [dreg:s8], $0x5FFFF  }
0xad: {  	[dreg:$0x1] =	wrdreg $0xFFFFFFFF  }
0xae: {  	[dreg:$0x0] =	wrdreg $0x60  }
0xaf: {  	[dreg:$0x2] =	wrdreg s24  }
0xb0: {  	[dreg:$0x3] =	wrdreg s2  }
0xb1: {  	[dreg:$0x4] =	wrdreg s18  }
0xb2: {  	[dreg:$0x5] =	wrdreg $0x120800  }
0xb3: {  	[dreg:$0x6] =	wrdreg $0x1E1000  }
0xb4: {  	[dreg:$0x7] =	wrdreg $0x9  }
0xb5: {  	_ =	task.clear_ibuf [dreg:s8], $0x8FFFF;
	_ =	strace $0x90000049  }
0xb6: {  	s29 =	simm.s32 $0x9;
	_ =	strace $0x8000004B  }
0xb7: {  	_ =	swait.ge [sflag:s29], $0x1  }
0xb8: {  	[sflag:s29] =	ssyncadd.s32 $0xFFFFFFFF  }
0xb9: {  	_ =	strace $0x9000004B  }
0xba: {  	_ =	sfence  }
0xbb: {  	s30 =	sld [smem:$0x0];
	_ =	sdelay $0x2  }
0xbc: {  	s31 =	sshll.u32 s1, $0xD;
	s1 =	sshrl.u32 s1, $0x2  }
0xbd: {  	s3 =	sand.u32 $0x4000, s31;
	s1 =	sadd.s32 s1, s30  }
0xbe: {  	s0 =	sor.u32 s3, s0;
	s1 =	sshll.u32 s1, $0x11  }
0xbf: {  	s0 =	sor.u32 s1, s0  }
0xc0: {  	s0 =	sadd.s32 $0x8F2B, s0  }
0xc1: {  	[sflag:s0] =	ssyncadd.remote.s32 $0x1  }
0xc2: {  	_ =	sfence.sel $0xFFFF  }
0xc3: {  	[dreg:$0x0] =	wrdreg $0xFFFFFFFF;
	(pc) =	sbr.abs _section_cstart, $3  }
0xc4: {  	[dreg:$0x1] =	wrdreg $0xFFFFFFFF  }
0xc5: {  	_ =	task.clear_ibuf [dreg:s8], $0x2FFFF;
	_ =	strace $0x9FFFFFFF  }
0xc6: {  	(tm) =	ssettm $0x7FFFFFFF  }
0xc7: {  	_ =	shalt  }
tec
execute0_lowered:
.L_overlay_start_1:
0x0: {  	(tag) =	ssettag $0x1  }
0x1: {  	s1 =	rddreg [dreg:$0x0]  }
0x2: {  	s0 =	rddreg [dreg:$0x1]  }
0x3: {  	s2 =	rddreg [dreg:$0x2];
	s4 =	srdreg.scid  }
0x4: {  	s3 =	rddreg [dreg:$0x3];
	s19 =	stileid.u32  }
0x5: {  	s5 =	simm.s32 $0x0;
	s20 =	simm.s32 $0x80;
	s21 =	simm.s32 $0xA080  }
0x6: {  	s23 =	simm.s32 $0xE080;
	s9 =	sand.u32 $0x1, s4;
	s4 =	rddreg [dreg:$0x4]  }
0x7: {  	s30 =	simm.s32 $0x0;
	[smem:$0x7FF] =	sst s5;
	s7 =	sshll.u32 s19, $0x4  }
0x8: {  	s25 =	sadd.s32 $0x3C00, s1;
	s26 =	sadd.s32 $0x3A00, s1;
	s15 =	smul.u32 $0x30000, s19  }
0x9: {  	s8 =	sadd.s32 $0x3800, s1;
	s16 =	smul.u32 $0x600, s19;
	s31 =	sshll.u32 s19, $0x6  }
0xa: {  	s18 =	smul.u32 $0x1800, s19;
	s13 =	sshll.u32 s9, $0x4;
	_ =	strace $0x8000004A  }
0xb: {  	s7 =	sand.u32 $0x70, s7;
	s14 =	smul.u32 $0x18000, s9;
	[dreg:$0x6] =	wrdreg s25  }
0xc: {  	[dreg:$0x7] =	wrdreg s26;
	s9 =	ssub.s32 $0x2, s9;
	s25 =	simm.s32 $0x1  }
0xd: {  	s26 =	simm.s32 $0x2;
	s10 =	sor.u32 s19, s13;
	s12 =	sadd.s32 s7, s1  }
0xe: {  	s28 =	sshrl.u32 s9, $0x1;
	s15 =	sshrl.u32 s15, $0x2;
	s19 =	smul.u32 $0x60, s19  }
0xf: {  	s16 =	sshrl.u32 s16, $0x2;
	s2 =	sadd.s32 s2, s13;
	s6 =	smul.u32 $0xA00, s10  }
0x10: {  	s15 =	sadd.s32 s15, s3;
	s29 =	sshll.u32 s10, $0x4;
	s16 =	sadd.s32 s16, s4  }
0x11: {  	s17 =	sand.u32 $0x180, s29;
	s16 =	sshrl.u32 s16, $0x3;
	s24 =	sadd.s32 s19, s2  }
.Ltmp0:
0x12: {  	s11 =	sadd.s32 s6, s1;
	s1 =	sadd.s32 s14, s1;
	(pc) =	sbr.rel .LBB2_1-.Ltmp0, $4  }
0x13: {  	s14 =	ssub.s32 s9, s28;
	s9 =	sor.u32 $0x1C03, s31;
	s12 =	sadd.s32 s17, s12  }
0x14: {  	s17 =	simm.s32 $0x1E080;
	s10 =	sadd.s32 $0xD600, s11;
	s11 =	sadd.s32 $0x21600, s11  }
0x15: {  	s12 =	sadd.s32 $0x35600, s12;
	s1 =	sadd.s32 $0x35800, s1;
	s13 =	smax.u32 s14, $0x1  }
0x16: {  	s14 =	sshrl.u32 s15, $0x3;
	s15 =	simm.s32 $0x3;
	s22 =	sadd.s32 s18, s1  }
.LBB2_4:
0x17: {  	[sflag:s15] =	ssyncadd.s32 $0xFFFFFF80;
	s1 =	simm.s32 @!p1 $0xE080  }
0x18: {  	[tilespmem:s1], [sflag:$0x2] =	stream.indirect.gather @!p1 [hbm4b:s0+s29], $0x80, s28, s29, $0xb8;
	[tilespmem:$0x1E280] =	vst v63  }
.LBB2_5:
0x19: {  	[bflag:$0x0] =	sbarrier.arrive $0xFFFF  }
0x1a: {  	[hbm:s22], [sflag:s9] =	dma.local [spmem:s14], $0x1800  }
0x1b: {  	s30 =	sadd.s32 $0x1, s30;
	_ =	swait.ge [sflag:s15], $0x1800  }
0x1c: {  	s1 =	simm.s32 $0x20;
	p0 =	sne.s32 s30, s13;
	[sflag:s15] =	ssyncset.done $0x0  }
.Ltmp1:
0x1d: {  	s2 =	simm.s32 $0x10;
	[sflag:s15] =	ssyncadd.s32 $0xFFFFE800;
	(pc) =	sbr.rel @!p0 .LBB2_6-.Ltmp1, $4  }
0x1e: {  	[hbm:s24@s1], [sflag:s9] =	dma.strided [spmem:s16@s2], $0x30, s25, $0x10   }
0x1f: {  	_ =	swait.ge [sflag:s15], $0x30  }
0x20: {  	[sflag:s15] =	ssyncset.done $0x0  }
0x21: {  	[sflag:s15] =	ssyncadd.s32 $0xFFFFFFD0  }
.LBB2_1:
0x22: {  	s1 =	rddreg [dreg:$0x6]  }
0x23: {  	[spmem:s14], [sflag:s9] =	dma.local [hbm:s1], $0x1800  }
0x24: {  	_ =	swait.ge [sflag:s15], $0x1800  }
0x25: {  	[sflag:s15] =	ssyncset.done $0x0  }
0x26: {  	s7 =	rddreg [dreg:$0x7];
	[sflag:s15] =	ssyncadd.s32 $0xFFFFE800  }
0x27: {  	[spmem:s16], [sflag:s9] =	dma.local [hbm:s7], $0x30  }
0x28: {  	_ =	swait.ge [sflag:s15], $0x30  }
0x29: {  	[sflag:s15] =	ssyncset.done $0x0  }
0x2a: {  	[sflag:s15] =	ssyncadd.s32 $0xFFFFFFD0  }
0x2b: {  	[tilespmem:s17], [sflag:$0x3] =	stream.linear.gather [hbm4b:s8+s5], $0x80, $0x38;
	[tilespmem:$0x1E280] =	vst v63  }
0x2c: {  	_ =	swait.ge [sflag:s15], $0x80  }
0x2d: {  	[sflag:s15] =	ssyncset.done $0x0  }
0x2e: {  	[sflag:s15] =	ssyncadd.s32 $0xFFFFFF80  }
0x2f: {  	[tilespmem:s5], [sflag:$0x3] =	stream.linear.gather [hbm4b:s10+s5], $0x4F00, $0x38;
	[tilespmem:$0x1E280] =	vst v63  }
0x30: {  	_ =	swait.ge [sflag:s15], $0x4F00  }
0x31: {  	[sflag:s15] =	ssyncset.done $0x0  }
0x32: {  	s18 =	simm.s32 $0x5000;
	[sflag:s15] =	ssyncadd.s32 $0xFFFFB100  }
0x33: {  	[tilespmem:s18], [sflag:$0x3] =	stream.linear.gather [hbm4b:s11+s5], $0x4F00, $0x38;
	[tilespmem:$0x1E280] =	vst v63  }
0x34: {  	_ =	swait.ge [sflag:s15], $0x4F00  }
0x35: {  	[sflag:s15] =	ssyncset.done $0x0  }
0x36: {  	s19 =	simm.s32 $0xA000;
	[sflag:s15] =	ssyncadd.s32 $0xFFFFB100  }
0x37: {  	[tilespmem:s19], [sflag:$0x3] =	stream.linear.gather [hbm4b:s12+s5], $0x80, $0x38;
	[tilespmem:$0x1E280] =	vst v63  }
0x38: {  	_ =	swait.ge [sflag:s15], $0x80  }
0x39: {  	[sflag:s15] =	ssyncset.done $0x0  }
0x3a: {  	[sflag:s15] =	ssyncadd.s32 $0xFFFFFF80  }
0x3b: {  	v0 =	vld [tilespmem:$0xA000];
	_ =	sdelay $0x4  }
0x3c: {  	(v2sf) =	vpush v0, $0x0;
	_ =	sdelay $0xe  }
0x3d: {  	s31 =	spop (v2sf)  }
0x3e: {  	s28 =	sand.u32 $0x1, s31  }
0x3f: {  	p0 =	slt.s32 s31, $0x1;
	p1 =	seq.s32 s28, $0x1  }
0x40: {  	s29 =	sshrl.u32 s31, $0x1F;
	p0 =	por !p0, !p1  }
0x41: {  	s2 =	simm.s32 $0x1;
	s1 =	sadd.s32 s29, s31;
	p0 =	por !p0, !p0  }
0x42: {  	s1 =	sshra.s32 s1, $0x1;
	s2 =	simm.s32 @!p0 $0x0  }
0x43: {  	s1 =	ssub.s32 s1, s2  }
0x44: {  	p0 =	slt.s32 s1, $0x1  }
.Ltmp2:
0x45: {  	_ = 	snop;
	(pc) =	sbr.rel @p0 .LBB2_5-.Ltmp2, $4  }
0x46: {  	[bflag:$0x0] =	sbarrier.arrive $0xFFFF  }
0x47: {  	[tilespmem:s21], [sflag:$0x1] =	stream.indirect.gather [hbm4b:s0+s20], $0x80, s5, s20, $0xb8;
	[tilespmem:$0x1E280] =	vst v63  }
0x48: {  	_ = 	snop  }
0x49: {  	[tilespmem:s23], [sflag:$0x2] =	stream.indirect.gather [hbm4b:s0+s20], $0x80, s20, s20, $0xb8;
	[tilespmem:$0x1E280] =	vst v63  }
0x4a: {  	_ =	swait.ge [sflag:s25], $0x4000  }
0x4b: {  	[sflag:s25] =	ssyncset.done $0x0  }
0x4c: {  	s2 =	simm.s32 $0x5000;
	[sflag:s25] =	ssyncadd.s32 $0xFFFFC000  }
0x4d: {  	[spmem:s3] =	stream.indirect.scatter.add.f32 [tilespmem:s21], [sflag:$0x3], $0x80, s2, s20, $0xb8;
	[tilespmem:$0x1E280] =	vst v63  }
0x4e: {  	_ =	swait.ge [sflag:s15], $0x4000  }
0x4f: {  	[sflag:s15] =	ssyncset.done $0x0  }
0x50: {  	[sflag:s15] =	ssyncadd.s32 $0xFFFFC000  }
0x51: {  	[spmem:s4] =	stream.indirect.scatter.add.f32 [tilespmem:s17], [sflag:$0x3], $0x1, s2, s20, $0xb8;
	[tilespmem:$0x1E280] =	vst v63  }
0x52: {  	p0 =	sle.s32 s31, $0x2;
	_ =	swait.ge [sflag:s15], $0x80  }
0x53: {  	s18 =	simm.s32 @!p0 $0x80;
	[sflag:s15] =	ssyncset.done $0x0  }
0x54: {  	s19 =	simm.s32 @!p0 $0xA080;
	s2 =	simm.s32 $0x100;
	[sflag:s15] =	ssyncadd.s32 $0xFFFFFF80  }
0x55: {  	[tilespmem:s19], [sflag:$0x1] =	stream.indirect.gather @!p0 [hbm4b:s0+s18], $0x80, s2, s18, $0xb8;
	[tilespmem:$0x1E280] =	vst v63  }
0x56: {  	_ =	swait.ge [sflag:s26], $0x4000  }
0x57: {  	[sflag:s26] =	ssyncset.done $0x0  }
0x58: {  	s7 =	simm.s32 $0x5080;
	s1 =	sadd.s32 $0xFFFFFFFF, s1;
	[sflag:s26] =	ssyncadd.s32 $0xFFFFC000  }
0x59: {  	[spmem:s3] =	stream.indirect.scatter.add.f32 [tilespmem:s23], [sflag:$0x3], $0x80, s7, s20, $0xb8;
	[tilespmem:$0x1E280] =	vst v63  }
0x5a: {  	p0 =	sne.s32 s1, $0x0;
	_ =	swait.ge [sflag:s15], $0x4000  }
.Ltmp3:
0x5b: {  	p1 =	sle.s32 s31, $0x3;
	[sflag:s15] =	ssyncset.done $0x0;
	(pc) =	sbr.rel @!p0 .LBB2_4-.Ltmp3, $4  }
0x5c: {  	s28 =	simm.s32 @!p1 $0x180;
	[sflag:s15] =	ssyncadd.s32 $0xFFFFC000  }
0x5d: {  	[spmem:s4] =	stream.indirect.scatter.add.f32 [tilespmem:s17], [sflag:$0x3], $0x1, s7, s20, $0xb8;
	[tilespmem:$0x1E280] =	vst v63  }
0x5e: {  	s29 =	simm.s32 @!p1 $0x80;
	s2 =	simm.s32 $0x4;
	_ =	swait.ge [sflag:s15], $0x80  }
0x5f: {  	s18 =	simm.s32 $0x200;
	s19 =	simm.s32 $0x5180;
	[sflag:s15] =	ssyncset.done $0x0  }
.LBB2_3:
0x60: {  	s1 =	sadd.s32 $0xFFFFFFFF, s1;
	[sflag:s15] =	ssyncadd.s32 $0xFFFFFF80;
	s6 =	simm.s32 @!p1 $0xE080  }
0x61: {  	[tilespmem:s6], [sflag:$0x2] =	stream.indirect.gather @!p1 [hbm4b:s0+s29], $0x80, s28, s29, $0xb8;
	[tilespmem:$0x1E280] =	vst v63  }
0x62: {  	p0 =	sne.s32 s1, $0x0;
	s6 =	smov.u32 s2;
	_ =	swait.ge [sflag:s25], $0x4000  }
0x63: {  	s28 =	sadd.s32 $0xFFFFFF80, s19;
	s29 =	smov.u32 s18;
	[sflag:s25] =	ssyncset.done $0x0  }
0x64: {  	[sflag:s25] =	ssyncadd.s32 $0xFFFFC000  }
0x65: {  	[spmem:s3] =	stream.indirect.scatter.add.f32 [tilespmem:s21], [sflag:$0x3], $0x80, s28, s20, $0xb8;
	[tilespmem:$0x1E280] =	vst v63  }
0x66: {  	_ =	swait.ge [sflag:s15], $0x4000  }
0x67: {  	[sflag:s15] =	ssyncset.done $0x0  }
0x68: {  	[sflag:s15] =	ssyncadd.s32 $0xFFFFC000  }
0x69: {  	[spmem:s4] =	stream.indirect.scatter.add.f32 [tilespmem:s17], [sflag:$0x3], $0x1, s28, s20, $0xb8;
	[tilespmem:$0x1E280] =	vst v63  }
0x6a: {  	p1 =	sge.s32 s2, s31;
	_ =	swait.ge [sflag:s15], $0x80  }
0x6b: {  	s7 =	simm.s32 @!p1 $0xA080;
	s28 =	simm.s32 @!p1 $0x80;
	[sflag:s15] =	ssyncset.done $0x0  }
0x6c: {  	[sflag:s15] =	ssyncadd.s32 $0xFFFFFF80  }
0x6d: {  	[tilespmem:s7], [sflag:$0x1] =	stream.indirect.gather @!p1 [hbm4b:s0+s28], $0x80, s18, s28, $0xb8;
	[tilespmem:$0x1E280] =	vst v63  }
0x6e: {  	_ =	swait.ge [sflag:s26], $0x4000  }
0x6f: {  	[sflag:s26] =	ssyncset.done $0x0  }
0x70: {  	[sflag:s26] =	ssyncadd.s32 $0xFFFFC000  }
0x71: {  	[spmem:s3] =	stream.indirect.scatter.add.f32 [tilespmem:s23], [sflag:$0x3], $0x80, s19, s20, $0xb8;
	[tilespmem:$0x1E280] =	vst v63  }
0x72: {  	_ =	swait.ge [sflag:s15], $0x4000  }
.Ltmp4:
0x73: {  	s2 =	sadd.s32 $0x2, s2;
	[sflag:s15] =	ssyncset.done $0x0;
	(pc) =	sbr.rel @p0 .LBB2_3-.Ltmp4, $4  }
0x74: {  	s6 =	sadd.s32 $0x1, s6;
	s18 =	sadd.s32 $0x100, s18;
	[sflag:s15] =	ssyncadd.s32 $0xFFFFC000  }
0x75: {  	[spmem:s4] =	stream.indirect.scatter.add.f32 [tilespmem:s17], [sflag:$0x3], $0x1, s19, s20, $0xb8;
	[tilespmem:$0x1E280] =	vst v63  }
0x76: {  	p1 =	sge.s32 s6, s31;
	s19 =	sadd.s32 $0x100, s19;
	_ =	swait.ge [sflag:s15], $0x80  }
0x77: {  	s28 =	sadd.s32 @!p1 $0x80, s29;
	s29 =	simm.s32 @!p1 $0x80;
	[sflag:s15] =	ssyncset.done $0x0  }
.Ltmp5:
0x78: {  	_ = 	snop;
	(pc) =	sbr.rel .LBB2_4-.Ltmp5, $1  }
0x79: {  	_ =	sdelay $0x3  }
.LBB2_6:
0x7a: {  	_ =	sfence.sel $0x180000  }
0x7b: {  	[bflag:$0x0] =	sbarrier.arrive $0xFFFF  }
0x7c: {  	_ =	strace $0x9000004A  }
0x7d: {  	s0 =	stileid.u32;
	[bflag:$0x2] =	sbarrier.arrive $0xFFFF  }
0x7e: {  	p0 =	sne.s32 s0, $0x0;
	s0 =	rddreg [dreg:$0x5]  }
0x7f: {  	s0 =	sadd.s32 @!p0 $0x100000, s0  }
0x80: {  	[sflag:s0] =	ssyncadd.tile.s32 @!p0 $0x1;
	_ =	shalt  }
.Lfunc_end2:
_tile_overlayer_lowered:
.L_overlay_start_2:
0x81: {  	(tag) =	ssettag $0x2  }
0x82: {  	s0 =	rddreg [dreg:$0x0];
	s2 =	stileid.u32  }
0x83: {  	s1 =	rddreg [dreg:$0x1];
	p0 =	sne.s32 s2, $0x0  }
0x84: {  	s3 =	rddreg [dreg:$0x2];
	[bflag:$0x3] =	sbarrier.arrive $0xFFFF;
	s2 =	simm.s32 @!p0 $0x1C03  }
0x85: {  	[timem:s3], [sflag:s2] =	dma.local @!p0 [hbm:s0], s1  }
0x86: {  	s0 =	simm.s32 @!p0 $0x3  }
0x87: {  	_ =	swait.ge @!p0 [sflag:s0], s1  }
0x88: {  	s1 =	ssub.s32 @!p0 $0x0, s1;
	[sflag:s0] =	ssyncset.done @!p0 $0x0  }
0x89: {  	[sflag:s0] =	ssyncadd.s32 @!p0 s1  }
0x8a: {  	[bflag:$0x3] =	sbarrier.arrive $0xFFFF  }
0x8b: {  	_ =	shalt  }

// kernel: kernel.13.cloned.1.call-start
scs
__scs_entry_jumppad:
0x0: {  	(pc) =	sbr.rel $0x88, $3  }
0x1: {  	(tag) =	ssettag $0x0;
	lr =	simm.s32 $0x1  }
0x2: {  	[smem:$0x3F98] =	sst lr;
	_ =	strace $0xD0000000  }
0x3: {  	_ = 	snop  }
0x4: {  	_ = 	snop  }
0x5: {  	_ = 	snop  }
0x6: {  	_ = 	snop  }
0x7: {  	_ = 	snop  }
__scs_overlays_trampoline_lowered:
0x8: {  	[smem:$0x3FA7] =	sst s0  }
0x9: {  	[smem:$0x3FA8] =	sst s1  }
0xa: {  	[smem:$0x3FA9] =	sst s2  }
0xb: {  	[smem:$0x3FAA] =	sst s3  }
0xc: {  	[smem:$0x3FAB] =	sst s4  }
0xd: {  	[smem:$0x3FAC] =	sst s5  }
0xe: {  	[smem:$0x3FAD] =	sst s6  }
0xf: {  	[smem:$0x3FAE] =	sst s7  }
0x10: {  	[smem:$0x3FAF] =	sst s8  }
0x11: {  	[smem:$0x3FB0] =	sst s9;
	s0 =	simm.s32 @!p0 $0x0  }
0x12: {  	s1 =	sld [smem:$0x3F96];
	s0 =	simm.s32 @p0 $0x1  }
0x13: {  	[smem:$0x3FB1] =	sst s0;
	s0 =	simm.s32 @!p1 $0x0  }
0x14: {  	s2 =	sld [smem:$0x3F95];
	s0 =	simm.s32 @p1 $0x1  }
0x15: {  	[smem:$0x3FB2] =	sst s0;
	s0 =	simm.s32 @!p2 $0x0  }
0x16: {  	s3 =	sld [smem:$0x3FDB];
	s0 =	simm.s32 @p2 $0x1  }
0x17: {  	s4 =	simm.s32 $0x1BF5;
	[smem:$0x3FB4] =	sst s0  }
0x18: {  	s0 =	sld [smem:$0x3F97];
	_ =	swait.ge [sflag:s4], $0x0  }
0x19: {  	s7 =	sld [smem:$0x3F98]  }
0x1a: {  	s8 =	sadd.s32 $0xFFFFE003, lr  }
0x1b: {  	s9 =	sadd.s32 $0xFFFFFEF7, lr;
	s5 =	simm.s32 $0xFFFFFFFF;
	p2 =	slt.u32 s8, $0xFFFFF086  }
0x1c: {  	p1 =	slt.u32 s9, $0xF7A;
	s5 =	simm.s32 @!p2 $0x0  }
0x1d: {  	s5 =	simm.s32 @p1 $0x1;
	p0 =	seq.s32 s7, s2  }
0x1e: {  	s7 =	smul.u32 @!p0 $0xF7A, s2;
	p2 =	seq.s32 @!p0 s5, $0x0  }
0x1f: {  	s9 =	smul.u32 $0xF7A, s1;
	s8 =	simm.s32 @!p0 $0x1BF5;
	p2 =	por !p2, p0  }
0x20: {  	[sflag:s8] =	ssyncset.s32 @!p0 $0xFFFFF086;
	s6 =	sadd.s32 @!p0 s3, s7;
	s7 =	simm.s32 @!p0 $0x108  }
0x21: {  	s3 =	sadd.s32 s3, s9;
	s6 =	sadd.s32 @!p0 $0x88, s6;
	s7 =	simm.s32 @p2 $0x1082  }
0x22: {  	[simem:s7], [sflag:s8] =	dma.local @!p0 [hbm:s6], $0xF7A  }
0x23: {  	s9 =	sor.u32 $0xD0000000, s2;
	s6 =	simm.s32 $0x108;
	_ =	swait.ge @!p0 [sflag:s8], $0x0  }
0x24: {  	s3 =	sadd.s32 $0x88, s3;
	s6 =	simm.s32 @!p1 $0x1082;
	[sflag:s4] =	ssyncset.s32 $0xFFFFF086  }
0x25: {  	[simem:s6], [sflag:s4] =	dma.local [hbm:s3], $0xF7A  }
0x26: {  	[smem:$0x3F98] =	sst s1;
	(tag) =	ssettag s2;
	_ =	strace s9  }
0x27: {  	s1 =	sld [smem:$0x3FA8]  }
0x28: {  	s2 =	sld [smem:$0x3FA9]  }
0x29: {  	s4 =	sld [smem:$0x3FAB]  }
0x2a: {  	p0 =	seq.s32 s5, $0x0;
	s5 =	sld [smem:$0x3FAC]  }
0x2b: {  	s6 =	sld [smem:$0x3FAD]  }
0x2c: {  	s7 =	sld [smem:$0x3FAE]  }
0x2d: {  	s3 =	simm.s32 $0x108;
	s8 =	sld [smem:$0x3FAF]  }
0x2e: {  	s3 =	simm.s32 @!p0 $0x1082;
	s9 =	sld [smem:$0x3FB0]  }
0x2f: {  	lr =	sadd.s32 s0, s3;
	s0 =	sld [smem:$0x3FA7]  }
0x30: {  	s3 =	sld [smem:$0x3FAA]  }
0x31: {  	[smem:$0x3FB3] =	sst s10  }
0x32: {  	s10 =	sld [smem:$0x3FB1];
	_ =	sdelay $0x3  }
0x33: {  	p0 =	seq.s32 s10, $0x1;
	s10 =	sld [smem:$0x3FB3];
	_ =	sdelay $0x3  }
0x34: {  	[smem:$0x3FB3] =	sst s10  }
0x35: {  	s10 =	sld [smem:$0x3FB2];
	_ =	sdelay $0x3  }
0x36: {  	p1 =	seq.s32 s10, $0x1;
	s10 =	sld [smem:$0x3FB3];
	_ =	sdelay $0x3  }
0x37: {  	[smem:$0x3FB3] =	sst s10  }
0x38: {  	s10 =	sld [smem:$0x3FB4]  }
0x39: {  	_ = 	snop;
	(pc) =	sbr.ind lr, $3  }
0x3a: {  	_ = 	snop  }
0x3b: {  	_ = 	snop  }
0x3c: {  	p2 =	seq.s32 s10, $0x1;
	s10 =	sld [smem:$0x3FB3]  }
0x3d: {  	_ =	shalt  }
0x3e: {  	_ =	shalt  }
0x3f: {  	_ =	shalt  }
0x40: {  	_ =	shalt  }
0x41: {  	_ =	shalt  }
0x42: {  	_ =	shalt  }
0x43: {  	_ =	shalt  }
0x44: {  	_ =	shalt  }
0x45: {  	_ =	shalt  }
0x46: {  	_ =	shalt  }
0x47: {  	_ =	shalt  }
0x48: {  	_ =	shalt  }
0x49: {  	_ =	shalt  }
0x4a: {  	_ =	shalt  }
0x4b: {  	_ =	shalt  }
0x4c: {  	_ =	shalt  }
0x4d: {  	_ =	shalt  }
0x4e: {  	_ =	shalt  }
0x4f: {  	_ =	shalt  }
0x50: {  	_ =	shalt  }
0x51: {  	_ =	shalt  }
0x52: {  	_ =	shalt  }
0x53: {  	_ =	shalt  }
0x54: {  	_ =	shalt  }
0x55: {  	_ =	shalt  }
0x56: {  	_ =	shalt  }
0x57: {  	_ =	shalt  }
0x58: {  	_ =	shalt  }
0x59: {  	_ =	shalt  }
0x5a: {  	_ =	shalt  }
0x5b: {  	_ =	shalt  }
0x5c: {  	_ =	shalt  }
0x5d: {  	_ =	shalt  }
0x5e: {  	_ =	shalt  }
0x5f: {  	_ =	shalt  }
0x60: {  	_ =	shalt  }
0x61: {  	_ =	shalt  }
0x62: {  	_ =	shalt  }
0x63: {  	_ =	shalt  }
0x64: {  	_ =	shalt  }
0x65: {  	_ =	shalt  }
0x66: {  	_ =	shalt  }
0x67: {  	_ =	shalt  }
0x68: {  	_ =	shalt  }
0x69: {  	_ =	shalt  }
0x6a: {  	_ =	shalt  }
0x6b: {  	_ =	shalt  }
0x6c: {  	_ =	shalt  }
0x6d: {  	_ =	shalt  }
0x6e: {  	_ =	shalt  }
0x6f: {  	_ =	shalt  }
0x70: {  	_ =	shalt  }
0x71: {  	_ =	shalt  }
0x72: {  	_ =	shalt  }
0x73: {  	_ =	shalt  }
0x74: {  	_ =	shalt  }
0x75: {  	_ =	shalt  }
0x76: {  	_ =	shalt  }
0x77: {  	_ =	shalt  }
0x78: {  	_ =	shalt  }
0x79: {  	_ =	shalt  }
0x7a: {  	_ =	shalt  }
0x7b: {  	_ =	shalt  }
0x7c: {  	_ =	shalt  }
0x7d: {  	_ =	shalt  }
0x7e: {  	_ =	shalt  }
0x7f: {  	_ =	shalt  }
0x80: {  	_ =	shalt  }
0x81: {  	_ =	shalt  }
0x82: {  	_ =	shalt  }
0x83: {  	_ =	shalt  }
0x84: {  	_ =	shalt  }
0x85: {  	_ =	shalt  }
0x86: {  	_ =	shalt  }
0x87: {  	_ =	shalt  }
.Lfunc_end0:
.L_simem_size_0:
called_computation.2_lowered:
.L_overlay_start_0:
0x88: {  	s2 =	sld [smem:$0x3FD9]  }
0x89: {  	s3 =	sld [smem:$0x3FFE];
	_ =	sdelay $0x1  }
0x8a: {  	s1 =	srdreg.scid  }
0x8b: {  	s0 =	sand.u32 $0x1, s1  }
0x8c: {  	s17 =	sshll.u32 s0, $0xA;
	s2 =	sadd.s32 s3, s2  }
0x8d: {  	s2 =	sadd.s32 s2, s17  }
0x8e: {  	[smem:$0x3FBF] =	sst s2  }
0x8f: {  	_ = 	snop  }
0x90: {  	s2 =	sld [smem:$0x3FD0];
	(tm) =	ssettm $0x1  }
0x91: {  	s18 =	sld [smem:$0x3FFB];
	_ =	sdelay $0x3  }
0x92: {  	_ =	strace s18  }
0x93: {  	s3 =	sld [smem:$0x3FFC];
	_ =	sdelay $0x3  }
0x94: {  	_ =	strace s3  }
0x95: {  	s3 =	sld [smem:$0x3FFD];
	_ =	sdelay $0x3  }
0x96: {  	_ =	strace s3  }
0x97: {  	_ =	strace $0x8FFFFFFF  }
0x98: {  	s19 =	sld [smem:$0x3FDB];
	_ =	sdelay $0x1  }
0x99: {  	s4 =	simm.s32 $_scs_section_size  }
0x9a: {  	s5 =	simm.s32 $_size__tile_overlayer_lowered;
	s6 =	simm.s32 $_tile_overlayer_lowered  }
0x9b: {  	s22 =	simm.s32 $0x1BFF;
	s21 =	sshll.u32 s6, $0x1;
	s3 =	sadd.s32 s4, s19  }
0x9c: {  	s7 =	simm.s32 $0x0;
	s20 =	sshll.u32 s5, $0x1;
	s5 =	sadd.s32 s21, s3  }
0x9d: {  	[timem:s7], [sflag:s22] =	dma.local [hbm:s5], s20  }
0x9e: {  	_ =	swait.ge [sflag:s22], s20  }
0x9f: {  	s4 =	ssub.s32 $0x0, s20;
	[sflag:s22] =	ssyncset.done $0x0  }
0xa0: {  	[sflag:s22] =	ssyncadd.s32 s4;
	_ =	sdelay $0x1  }
0xa1: {  	s23 =	simm.s32 $0x1B8B  }
0xa2: {  	_ =	swait.ge [sflag:s23], $0x1  }
0xa3: {  	[sflag:s23] =	ssyncset.done $0x0  }
0xa4: {  	s25 =	simm.s32 $0x1B8E;
	s24 =	sld [smem:$0x3FFE];
	[sflag:s23] =	ssyncadd.s32 $0xFFFFFFFF  }
0xa5: {  	s26 =	simm.s32 $execute0_lowered;
	[smem:$0x3FD2] =	sst s25  }
0xa6: {  	s5 =	sshll.u32 s26, $0x1;
	_ =	strace $0x8000004C;
	[dreg:$0x1] =	wrdreg $0xFFFFFFFF  }
0xa7: {  	s28 =	simm.s32 $_size_execute0_lowered;
	s3 =	sadd.s32 s3, s5;
	[dreg:$0x0] =	wrdreg $0x0  }
0xa8: {  	s5 =	sshll.u32 s28, $0x1;
	[dreg:$0x2] =	wrdreg s3  }
0xa9: {  	[dreg:$0x3] =	wrdreg s5  }
0xaa: {  	[dreg:$0x4] =	wrdreg $0xC0  }
0xab: {  	_ =	task [dreg:s7], $0x5FFFF  }
0xac: {  	[dreg:$0x1] =	wrdreg $0xFFFFFFFF  }
0xad: {  	[dreg:$0x0] =	wrdreg $0x60  }
0xae: {  	[dreg:$0x2] =	wrdreg s24  }
0xaf: {  	[dreg:$0x3] =	wrdreg s2  }
0xb0: {  	[dreg:$0x4] =	wrdreg $0x120800  }
0xb1: {  	[dreg:$0x5] =	wrdreg $0x9  }
0xb2: {  	_ =	task.clear_ibuf [dreg:s7], $0x6FFFF;
	_ =	strace $0x9000004C  }
0xb3: {  	s29 =	simm.s32 $0x9;
	_ =	strace $0x8000004E  }
0xb4: {  	_ =	swait.ge [sflag:s29], $0x1  }
0xb5: {  	[sflag:s29] =	ssyncadd.s32 $0xFFFFFFFF  }
0xb6: {  	_ =	strace $0x9000004E  }
0xb7: {  	_ =	sfence  }
0xb8: {  	s30 =	sld [smem:$0x0];
	_ =	sdelay $0x2  }
0xb9: {  	s31 =	sshll.u32 s1, $0xD;
	s1 =	sshrl.u32 s1, $0x2  }
0xba: {  	s3 =	sand.u32 $0x4000, s31;
	s1 =	sadd.s32 s1, s30  }
0xbb: {  	s0 =	sor.u32 s3, s0;
	s1 =	sshll.u32 s1, $0x11  }
0xbc: {  	s0 =	sor.u32 s1, s0  }
0xbd: {  	s0 =	sadd.s32 $0x8F2B, s0  }
0xbe: {  	[sflag:s0] =	ssyncadd.remote.s32 $0x1  }
0xbf: {  	_ =	sfence.sel $0xFFFF  }
0xc0: {  	[dreg:$0x0] =	wrdreg $0xFFFFFFFF;
	(pc) =	sbr.abs _section_cstart, $3  }
0xc1: {  	[dreg:$0x1] =	wrdreg $0xFFFFFFFF  }
0xc2: {  	_ =	task.clear_ibuf [dreg:s7], $0x2FFFF;
	_ =	strace $0x9FFFFFFF  }
0xc3: {  	(tm) =	ssettm $0x7FFFFFFF  }
tec
execute0_lowered:
.L_overlay_start_1:
0x0: {  	(tag) =	ssettag $0x1  }
0x1: {  	s6 =	rddreg [dreg:$0x0]  }
0x2: {  	s2 =	rddreg [dreg:$0x1]  }
0x3: {  	s0 =	srdreg.scid;
	s3 =	rddreg [dreg:$0x2]  }
0x4: {  	s4 =	simm.s32 $0x0;
	s14 =	simm.s32 $0xA000;
	s15 =	simm.s32 $0x80  }
0x5: {  	s16 =	simm.s32 $0xA080;
	s17 =	simm.s32 $0xE080;
	s18 =	simm.s32 $0x1  }
0x6: {  	s19 =	simm.s32 $0x2;
	s5 =	sand.u32 $0x1, s0;
	s0 =	stileid.u32  }
0x7: {  	[smem:$0x7FF] =	sst s4;
	s1 =	sshll.u32 s5, $0x4;
	s10 =	smul.u32 $0x18000, s5  }
0x8: {  	s9 =	sshll.u32 s0, $0x4;
	s11 =	ssub.s32 $0x2, s5;
	s13 =	smul.u32 $0x30000, s0  }
0x9: {  	s5 =	sadd.s32 $0x3C00, s6;
	s30 =	sshll.u32 s0, $0x6;
	s21 =	smul.u32 $0x1800, s0  }
0xa: {  	s7 =	sor.u32 s0, s1;
	s1 =	rddreg [dreg:$0x3];
	_ =	strace $0x8000004D  }
0xb: {  	s9 =	sand.u32 $0x70, s9;
	s12 =	sshrl.u32 s11, $0x1;
	s8 =	smul.u32 $0xA00, s7  }
0xc: {  	s9 =	sadd.s32 s9, s6;
	s10 =	sadd.s32 s10, s6;
	s11 =	ssub.s32 s11, s12  }
0xd: {  	s29 =	sshrl.u32 s13, $0x2;
	s7 =	sshll.u32 s7, $0x4;
	s12 =	simm.s32 $0x3  }
.Ltmp0:
0xe: {  	s13 =	sadd.s32 s29, s3;
	s31 =	sand.u32 $0x180, s7;
	(pc) =	sbr.rel .LBB2_1-.Ltmp0, $4  }
0xf: {  	s20 =	sadd.s32 $0x35800, s10;
	s10 =	smax.u32 s11, $0x1;
	s8 =	sadd.s32 s8, s6  }
0x10: {  	s6 =	sor.u32 $0x1C03, s30;
	s9 =	sadd.s32 s31, s9;
	s11 =	sshrl.u32 s13, $0x3  }
0x11: {  	s13 =	simm.s32 $0x5000;
	s20 =	sadd.s32 s21, s20;
	s21 =	simm.s32 $0x0  }
0x12: {  	s7 =	sadd.s32 $0xD600, s8;
	s8 =	sadd.s32 $0x21600, s8;
	s9 =	sadd.s32 $0x35600, s9  }
.LBB2_4:
0x13: {  	[sflag:s12] =	ssyncadd.s32 $0xFFFFC000;
	s22 =	simm.s32 @!p1 $0xE080  }
0x14: {  	[tilespmem:s22], [sflag:$0x2] =	stream.indirect.gather @!p1 [hbm4b:s2+s29], $0x80, s28, s29, $0xb8;
	[tilespmem:$0x1E080] =	vst v63  }
.LBB2_5:
0x15: {  	s21 =	sadd.s32 $0x1, s21  }
0x16: {  	p0 =	sne.s32 s21, s10  }
.Ltmp1:
0x17: {  	[bflag:$0x0] =	sbarrier.arrive $0xFFFF;
	(pc) =	sbr.rel @!p0 .LBB2_6-.Ltmp1, $4  }
0x18: {  	[hbm:s20], [sflag:s6] =	dma.local [spmem:s11], $0x1800  }
0x19: {  	_ =	swait.ge [sflag:s12], $0x1800  }
0x1a: {  	[sflag:s12] =	ssyncset.done $0x0  }
0x1b: {  	[sflag:s12] =	ssyncadd.s32 $0xFFFFE800  }
.LBB2_1:
0x1c: {  	[spmem:s11], [sflag:s6] =	dma.local [hbm:s5], $0x1800  }
0x1d: {  	_ =	swait.ge [sflag:s12], $0x1800  }
0x1e: {  	[sflag:s12] =	ssyncset.done $0x0  }
0x1f: {  	[sflag:s12] =	ssyncadd.s32 $0xFFFFE800  }
0x20: {  	[tilespmem:s4], [sflag:$0x3] =	stream.linear.gather [hbm4b:s7+s4], $0x4F00, $0x38;
	[tilespmem:$0x1E080] =	vst v63  }
0x21: {  	_ =	swait.ge [sflag:s12], $0x4F00  }
0x22: {  	[sflag:s12] =	ssyncset.done $0x0  }
0x23: {  	[sflag:s12] =	ssyncadd.s32 $0xFFFFB100  }
0x24: {  	[tilespmem:s13], [sflag:$0x3] =	stream.linear.gather [hbm4b:s8+s4], $0x4F00, $0x38;
	[tilespmem:$0x1E080] =	vst v63  }
0x25: {  	_ =	swait.ge [sflag:s12], $0x4F00  }
0x26: {  	[sflag:s12] =	ssyncset.done $0x0  }
0x27: {  	[sflag:s12] =	ssyncadd.s32 $0xFFFFB100  }
0x28: {  	[tilespmem:s14], [sflag:$0x3] =	stream.linear.gather [hbm4b:s9+s4], $0x80, $0x38;
	[tilespmem:$0x1E080] =	vst v63  }
0x29: {  	_ =	swait.ge [sflag:s12], $0x80  }
0x2a: {  	[sflag:s12] =	ssyncset.done $0x0  }
0x2b: {  	[sflag:s12] =	ssyncadd.s32 $0xFFFFFF80  }
0x2c: {  	v0 =	vld [tilespmem:$0xA000];
	_ =	sdelay $0x4  }
0x2d: {  	(v2sf) =	vpush v0, $0x0;
	_ =	sdelay $0xe  }
0x2e: {  	s22 =	spop (v2sf)  }
0x2f: {  	s23 =	sand.u32 $0x1, s22  }
0x30: {  	p0 =	slt.s32 s22, $0x1;
	p1 =	seq.s32 s23, $0x1  }
0x31: {  	s31 =	sshrl.u32 s22, $0x1F;
	p0 =	por !p0, !p1  }
0x32: {  	s24 =	simm.s32 $0x1;
	s23 =	sadd.s32 s31, s22;
	p0 =	por !p0, !p0  }
0x33: {  	s23 =	sshra.s32 s23, $0x1;
	s24 =	simm.s32 @!p0 $0x0  }
0x34: {  	s23 =	ssub.s32 s23, s24  }
0x35: {  	p0 =	slt.s32 s23, $0x1  }
.Ltmp2:
0x36: {  	_ = 	snop;
	(pc) =	sbr.rel @p0 .LBB2_5-.Ltmp2, $4  }
0x37: {  	[bflag:$0x0] =	sbarrier.arrive $0xFFFF  }
0x38: {  	[tilespmem:s16], [sflag:$0x1] =	stream.indirect.gather [hbm4b:s2+s15], $0x80, s4, s15, $0xb8;
	[tilespmem:$0x1E080] =	vst v63  }
0x39: {  	_ = 	snop  }
0x3a: {  	[tilespmem:s17], [sflag:$0x2] =	stream.indirect.gather [hbm4b:s2+s15], $0x80, s15, s15, $0xb8;
	[tilespmem:$0x1E080] =	vst v63  }
0x3b: {  	_ =	swait.ge [sflag:s18], $0x4000  }
0x3c: {  	[sflag:s18] =	ssyncset.done $0x0  }
0x3d: {  	s24 =	simm.s32 $0x5000;
	[sflag:s18] =	ssyncadd.s32 $0xFFFFC000  }
0x3e: {  	[spmem:s3] =	stream.indirect.scatter.add.f32 [tilespmem:s16], [sflag:$0x3], $0x80, s24, s15, $0xb8;
	[tilespmem:$0x1E080] =	vst v63  }
0x3f: {  	p0 =	sle.s32 s22, $0x2;
	_ =	swait.ge [sflag:s12], $0x4000  }
0x40: {  	s23 =	sadd.s32 $0xFFFFFFFF, s23;
	s25 =	simm.s32 @!p0 $0x80;
	[sflag:s12] =	ssyncset.done $0x0  }
0x41: {  	s26 =	simm.s32 @!p0 $0xA080;
	s24 =	simm.s32 $0x100;
	[sflag:s12] =	ssyncadd.s32 $0xFFFFC000  }
0x42: {  	[tilespmem:s26], [sflag:$0x1] =	stream.indirect.gather @!p0 [hbm4b:s2+s25], $0x80, s24, s25, $0xb8;
	[tilespmem:$0x1E080] =	vst v63  }
0x43: {  	p0 =	sne.s32 s23, $0x0;
	_ =	swait.ge [sflag:s19], $0x4000  }
.Ltmp3:
0x44: {  	p1 =	sle.s32 s22, $0x3;
	[sflag:s19] =	ssyncset.done $0x0;
	(pc) =	sbr.rel @!p0 .LBB2_4-.Ltmp3, $4  }
0x45: {  	s31 =	simm.s32 $0x5080;
	s28 =	simm.s32 @!p1 $0x180;
	[sflag:s19] =	ssyncadd.s32 $0xFFFFC000  }
0x46: {  	[spmem:s3] =	stream.indirect.scatter.add.f32 [tilespmem:s17], [sflag:$0x3], $0x80, s31, s15, $0xb8;
	[tilespmem:$0x1E080] =	vst v63  }
0x47: {  	s29 =	simm.s32 @!p1 $0x80;
	s24 =	simm.s32 $0x4;
	_ =	swait.ge [sflag:s12], $0x4000  }
0x48: {  	s25 =	simm.s32 $0x200;
	s26 =	simm.s32 $0x5180;
	[sflag:s12] =	ssyncset.done $0x0  }
.LBB2_3:
0x49: {  	s23 =	sadd.s32 $0xFFFFFFFF, s23;
	[sflag:s12] =	ssyncadd.s32 $0xFFFFC000;
	s30 =	simm.s32 @!p1 $0xE080  }
0x4a: {  	[tilespmem:s30], [sflag:$0x2] =	stream.indirect.gather @!p1 [hbm4b:s2+s29], $0x80, s28, s29, $0xb8;
	[tilespmem:$0x1E080] =	vst v63  }
0x4b: {  	p0 =	sne.s32 s23, $0x0;
	s28 =	smov.u32 s24;
	_ =	swait.ge [sflag:s18], $0x4000  }
0x4c: {  	s29 =	sadd.s32 $0xFFFFFF80, s26;
	s30 =	smov.u32 s25;
	[sflag:s18] =	ssyncset.done $0x0  }
0x4d: {  	[sflag:s18] =	ssyncadd.s32 $0xFFFFC000  }
0x4e: {  	[spmem:s3] =	stream.indirect.scatter.add.f32 [tilespmem:s16], [sflag:$0x3], $0x80, s29, s15, $0xb8;
	[tilespmem:$0x1E080] =	vst v63  }
0x4f: {  	p1 =	sge.s32 s24, s22;
	_ =	swait.ge [sflag:s12], $0x4000  }
0x50: {  	s31 =	simm.s32 @!p1 $0xA080;
	s29 =	simm.s32 @!p1 $0x80;
	[sflag:s12] =	ssyncset.done $0x0  }
0x51: {  	[sflag:s12] =	ssyncadd.s32 $0xFFFFC000  }
0x52: {  	[tilespmem:s31], [sflag:$0x1] =	stream.indirect.gather @!p1 [hbm4b:s2+s29], $0x80, s25, s29, $0xb8;
	[tilespmem:$0x1E080] =	vst v63  }
0x53: {  	_ =	swait.ge [sflag:s19], $0x4000  }
.Ltmp4:
0x54: {  	s24 =	sadd.s32 $0x2, s24;
	[sflag:s19] =	ssyncset.done $0x0;
	(pc) =	sbr.rel @p0 .LBB2_3-.Ltmp4, $4  }
0x55: {  	s28 =	sadd.s32 $0x1, s28;
	s25 =	sadd.s32 $0x100, s25;
	[sflag:s19] =	ssyncadd.s32 $0xFFFFC000  }
0x56: {  	[spmem:s3] =	stream.indirect.scatter.add.f32 [tilespmem:s17], [sflag:$0x3], $0x80, s26, s15, $0xb8;
	[tilespmem:$0x1E080] =	vst v63  }
0x57: {  	p1 =	sge.s32 s28, s22;
	s26 =	sadd.s32 $0x100, s26;
	_ =	swait.ge [sflag:s12], $0x4000  }
0x58: {  	s28 =	sadd.s32 @!p1 $0x80, s30;
	s29 =	simm.s32 @!p1 $0x80;
	[sflag:s12] =	ssyncset.done $0x0  }
.Ltmp5:
0x59: {  	_ = 	snop;
	(pc) =	sbr.rel .LBB2_4-.Ltmp5, $1  }
0x5a: {  	_ =	sdelay $0x3  }
.LBB2_6:
0x5b: {  	_ =	sfence.sel $0x180000  }
0x5c: {  	[bflag:$0x0] =	sbarrier.arrive $0xFFFF  }
0x5d: {  	p0 =	sne.s32 s0, $0x0;
	_ =	strace $0x9000004D  }
0x5e: {  	s0 =	sadd.s32 @!p0 $0x100000, s1;
	[bflag:$0x2] =	sbarrier.arrive $0xFFFF  }
0x5f: {  	[sflag:s0] =	ssyncadd.tile.s32 @!p0 $0x1;
	_ =	shalt  }
.Lfunc_end2:
_tile_overlayer_lowered:
.L_overlay_start_2:
0x60: {  	(tag) =	ssettag $0x2  }
0x61: {  	s0 =	rddreg [dreg:$0x0];
	s2 =	stileid.u32  }
0x62: {  	s1 =	rddreg [dreg:$0x1];
	p0 =	sne.s32 s2, $0x0  }
0x63: {  	s3 =	rddreg [dreg:$0x2];
	[bflag:$0x3] =	sbarrier.arrive $0xFFFF;
	s2 =	simm.s32 @!p0 $0x1C03  }
0x64: {  	[timem:s3], [sflag:s2] =	dma.local @!p0 [hbm:s0], s1  }
0x65: {  	s0 =	simm.s32 @!p0 $0x3  }
0x66: {  	_ =	swait.ge @!p0 [sflag:s0], s1  }
0x67: {  	s1 =	ssub.s32 @!p0 $0x0, s1;
	[sflag:s0] =	ssyncset.done @!p0 $0x0  }
0x68: {  	[sflag:s0] =	ssyncadd.s32 @!p0 s1  }
0x69: {  	[bflag:$0x3] =	sbarrier.arrive $0xFFFF  }
0x6a: {  	_ =	shalt  }

// kernel: kernel.7.cloned.1.call-start
scs
__scs_entry_jumppad:
0x0: {  	(pc) =	sbr.rel $0x88, $3  }
0x1: {  	(tag) =	ssettag $0x0;
	lr =	simm.s32 $0x1  }
0x2: {  	[smem:$0x3F98] =	sst lr;
	_ =	strace $0xD0000000  }
0x3: {  	_ = 	snop  }
0x4: {  	_ = 	snop  }
0x5: {  	_ = 	snop  }
0x6: {  	_ = 	snop  }
0x7: {  	_ = 	snop  }
__scs_overlays_trampoline_lowered:
0x8: {  	[smem:$0x3FA7] =	sst s0  }
0x9: {  	[smem:$0x3FA8] =	sst s1  }
0xa: {  	[smem:$0x3FA9] =	sst s2  }
0xb: {  	[smem:$0x3FAA] =	sst s3  }
0xc: {  	[smem:$0x3FAB] =	sst s4  }
0xd: {  	[smem:$0x3FAC] =	sst s5  }
0xe: {  	[smem:$0x3FAD] =	sst s6  }
0xf: {  	[smem:$0x3FAE] =	sst s7  }
0x10: {  	[smem:$0x3FAF] =	sst s8  }
0x11: {  	[smem:$0x3FB0] =	sst s9;
	s0 =	simm.s32 @!p0 $0x0  }
0x12: {  	s1 =	sld [smem:$0x3F96];
	s0 =	simm.s32 @p0 $0x1  }
0x13: {  	[smem:$0x3FB1] =	sst s0;
	s0 =	simm.s32 @!p1 $0x0  }
0x14: {  	s2 =	sld [smem:$0x3F95];
	s0 =	simm.s32 @p1 $0x1  }
0x15: {  	[smem:$0x3FB2] =	sst s0;
	s0 =	simm.s32 @!p2 $0x0  }
0x16: {  	s3 =	sld [smem:$0x3FDB];
	s0 =	simm.s32 @p2 $0x1  }
0x17: {  	s4 =	simm.s32 $0x1BF5;
	[smem:$0x3FB4] =	sst s0  }
0x18: {  	s0 =	sld [smem:$0x3F97];
	_ =	swait.ge [sflag:s4], $0x0  }
0x19: {  	s7 =	sld [smem:$0x3F98]  }
0x1a: {  	s8 =	sadd.s32 $0xFFFFE003, lr  }
0x1b: {  	s9 =	sadd.s32 $0xFFFFFEF7, lr;
	s5 =	simm.s32 $0xFFFFFFFF;
	p2 =	slt.u32 s8, $0xFFFFF086  }
0x1c: {  	p1 =	slt.u32 s9, $0xF7A;
	s5 =	simm.s32 @!p2 $0x0  }
0x1d: {  	s5 =	simm.s32 @p1 $0x1;
	p0 =	seq.s32 s7, s2  }
0x1e: {  	s7 =	smul.u32 @!p0 $0xF7A, s2;
	p2 =	seq.s32 @!p0 s5, $0x0  }
0x1f: {  	s9 =	smul.u32 $0xF7A, s1;
	s8 =	simm.s32 @!p0 $0x1BF5;
	p2 =	por !p2, p0  }
0x20: {  	[sflag:s8] =	ssyncset.s32 @!p0 $0xFFFFF086;
	s6 =	sadd.s32 @!p0 s3, s7;
	s7 =	simm.s32 @!p0 $0x108  }
0x21: {  	s3 =	sadd.s32 s3, s9;
	s6 =	sadd.s32 @!p0 $0x88, s6;
	s7 =	simm.s32 @p2 $0x1082  }
0x22: {  	[simem:s7], [sflag:s8] =	dma.local @!p0 [hbm:s6], $0xF7A  }
0x23: {  	s9 =	sor.u32 $0xD0000000, s2;
	s6 =	simm.s32 $0x108;
	_ =	swait.ge @!p0 [sflag:s8], $0x0  }
0x24: {  	s3 =	sadd.s32 $0x88, s3;
	s6 =	simm.s32 @!p1 $0x1082;
	[sflag:s4] =	ssyncset.s32 $0xFFFFF086  }
0x25: {  	[simem:s6], [sflag:s4] =	dma.local [hbm:s3], $0xF7A  }
0x26: {  	[smem:$0x3F98] =	sst s1;
	(tag) =	ssettag s2;
	_ =	strace s9  }
0x27: {  	s1 =	sld [smem:$0x3FA8]  }
0x28: {  	s2 =	sld [smem:$0x3FA9]  }
0x29: {  	s4 =	sld [smem:$0x3FAB]  }
0x2a: {  	p0 =	seq.s32 s5, $0x0;
	s5 =	sld [smem:$0x3FAC]  }
0x2b: {  	s6 =	sld [smem:$0x3FAD]  }
0x2c: {  	s7 =	sld [smem:$0x3FAE]  }
0x2d: {  	s3 =	simm.s32 $0x108;
	s8 =	sld [smem:$0x3FAF]  }
0x2e: {  	s3 =	simm.s32 @!p0 $0x1082;
	s9 =	sld [smem:$0x3FB0]  }
0x2f: {  	lr =	sadd.s32 s0, s3;
	s0 =	sld [smem:$0x3FA7]  }
0x30: {  	s3 =	sld [smem:$0x3FAA]  }
0x31: {  	[smem:$0x3FB3] =	sst s10  }
0x32: {  	s10 =	sld [smem:$0x3FB1];
	_ =	sdelay $0x3  }
0x33: {  	p0 =	seq.s32 s10, $0x1;
	s10 =	sld [smem:$0x3FB3];
	_ =	sdelay $0x3  }
0x34: {  	[smem:$0x3FB3] =	sst s10  }
0x35: {  	s10 =	sld [smem:$0x3FB2];
	_ =	sdelay $0x3  }
0x36: {  	p1 =	seq.s32 s10, $0x1;
	s10 =	sld [smem:$0x3FB3];
	_ =	sdelay $0x3  }
0x37: {  	[smem:$0x3FB3] =	sst s10  }
0x38: {  	s10 =	sld [smem:$0x3FB4]  }
0x39: {  	_ = 	snop;
	(pc) =	sbr.ind lr, $3  }
0x3a: {  	_ = 	snop  }
0x3b: {  	_ = 	snop  }
0x3c: {  	p2 =	seq.s32 s10, $0x1;
	s10 =	sld [smem:$0x3FB3]  }
0x3d: {  	_ =	shalt  }
0x3e: {  	_ =	shalt  }
0x3f: {  	_ =	shalt  }
0x40: {  	_ =	shalt  }
0x41: {  	_ =	shalt  }
0x42: {  	_ =	shalt  }
0x43: {  	_ =	shalt  }
0x44: {  	_ =	shalt  }
0x45: {  	_ =	shalt  }
0x46: {  	_ =	shalt  }
0x47: {  	_ =	shalt  }
0x48: {  	_ =	shalt  }
0x49: {  	_ =	shalt  }
0x4a: {  	_ =	shalt  }
0x4b: {  	_ =	shalt  }
0x4c: {  	_ =	shalt  }
0x4d: {  	_ =	shalt  }
0x4e: {  	_ =	shalt  }
0x4f: {  	_ =	shalt  }
0x50: {  	_ =	shalt  }
0x51: {  	_ =	shalt  }
0x52: {  	_ =	shalt  }
0x53: {  	_ =	shalt  }
0x54: {  	_ =	shalt  }
0x55: {  	_ =	shalt  }
0x56: {  	_ =	shalt  }
0x57: {  	_ =	shalt  }
0x58: {  	_ =	shalt  }
0x59: {  	_ =	shalt  }
0x5a: {  	_ =	shalt  }
0x5b: {  	_ =	shalt  }
0x5c: {  	_ =	shalt  }
0x5d: {  	_ =	shalt  }
0x5e: {  	_ =	shalt  }
0x5f: {  	_ =	shalt  }
0x60: {  	_ =	shalt  }
0x61: {  	_ =	shalt  }
0x62: {  	_ =	shalt  }
0x63: {  	_ =	shalt  }
0x64: {  	_ =	shalt  }
0x65: {  	_ =	shalt  }
0x66: {  	_ =	shalt  }
0x67: {  	_ =	shalt  }
0x68: {  	_ =	shalt  }
0x69: {  	_ =	shalt  }
0x6a: {  	_ =	shalt  }
0x6b: {  	_ =	shalt  }
0x6c: {  	_ =	shalt  }
0x6d: {  	_ =	shalt  }
0x6e: {  	_ =	shalt  }
0x6f: {  	_ =	shalt  }
0x70: {  	_ =	shalt  }
0x71: {  	_ =	shalt  }
0x72: {  	_ =	shalt  }
0x73: {  	_ =	shalt  }
0x74: {  	_ =	shalt  }
0x75: {  	_ =	shalt  }
0x76: {  	_ =	shalt  }
0x77: {  	_ =	shalt  }
0x78: {  	_ =	shalt  }
0x79: {  	_ =	shalt  }
0x7a: {  	_ =	shalt  }
0x7b: {  	_ =	shalt  }
0x7c: {  	_ =	shalt  }
0x7d: {  	_ =	shalt  }
0x7e: {  	_ =	shalt  }
0x7f: {  	_ =	shalt  }
0x80: {  	_ =	shalt  }
0x81: {  	_ =	shalt  }
0x82: {  	_ =	shalt  }
0x83: {  	_ =	shalt  }
0x84: {  	_ =	shalt  }
0x85: {  	_ =	shalt  }
0x86: {  	_ =	shalt  }
0x87: {  	_ =	shalt  }
.Lfunc_end0:
.L_simem_size_0:
called_computation_lowered:
.L_overlay_start_0:
0x88: {  	s2 =	sld [smem:$0x3FD9]  }
0x89: {  	s3 =	sld [smem:$0x3FFE];
	_ =	sdelay $0x1  }
0x8a: {  	s1 =	srdreg.scid  }
0x8b: {  	s0 =	sand.u32 $0x1, s1  }
0x8c: {  	s17 =	sshll.u32 s0, $0xA;
	s2 =	sadd.s32 s3, s2  }
0x8d: {  	s2 =	sadd.s32 s2, s17  }
0x8e: {  	[smem:$0x3FBF] =	sst s2  }
0x8f: {  	_ = 	snop  }
0x90: {  	s2 =	sld [smem:$0x3FD0];
	(tm) =	ssettm $0x1  }
0x91: {  	s18 =	sld [smem:$0x3FFB];
	_ =	sdelay $0x3  }
0x92: {  	_ =	strace s18  }
0x93: {  	s3 =	sld [smem:$0x3FFC];
	_ =	sdelay $0x3  }
0x94: {  	_ =	strace s3  }
0x95: {  	s3 =	sld [smem:$0x3FFD];
	_ =	sdelay $0x3  }
0x96: {  	_ =	strace s3  }
0x97: {  	_ =	strace $0x8FFFFFFF  }
0x98: {  	s19 =	sld [smem:$0x3FDB];
	_ =	sdelay $0x1  }
0x99: {  	s4 =	simm.s32 $_scs_section_size  }
0x9a: {  	s5 =	simm.s32 $_size__tile_overlayer_lowered;
	s6 =	simm.s32 $_tile_overlayer_lowered  }
0x9b: {  	s22 =	simm.s32 $0x1BFF;
	s21 =	sshll.u32 s6, $0x1;
	s3 =	sadd.s32 s4, s19  }
0x9c: {  	s7 =	simm.s32 $0x0;
	s20 =	sshll.u32 s5, $0x1;
	s5 =	sadd.s32 s21, s3  }
0x9d: {  	[timem:s7], [sflag:s22] =	dma.local [hbm:s5], s20  }
0x9e: {  	_ =	swait.ge [sflag:s22], s20  }
0x9f: {  	s4 =	ssub.s32 $0x0, s20;
	[sflag:s22] =	ssyncset.done $0x0  }
0xa0: {  	[sflag:s22] =	ssyncadd.s32 s4;
	_ =	sdelay $0x1  }
0xa1: {  	s23 =	simm.s32 $0x1B8B  }
0xa2: {  	_ =	swait.ge [sflag:s23], $0x1  }
0xa3: {  	[sflag:s23] =	ssyncset.done $0x0  }
0xa4: {  	s25 =	simm.s32 $0x1B8E;
	s24 =	sld [smem:$0x3FFE];
	[sflag:s23] =	ssyncadd.s32 $0xFFFFFFFF  }
0xa5: {  	s26 =	simm.s32 $execute0_lowered;
	[smem:$0x3FD2] =	sst s25  }
0xa6: {  	s5 =	sshll.u32 s26, $0x1;
	_ =	strace $0x80000046;
	[dreg:$0x1] =	wrdreg $0xFFFFFFFF  }
0xa7: {  	s28 =	simm.s32 $_size_execute0_lowered;
	s3 =	sadd.s32 s3, s5;
	[dreg:$0x0] =	wrdreg $0x0  }
0xa8: {  	s5 =	sshll.u32 s28, $0x1;
	[dreg:$0x2] =	wrdreg s3  }
0xa9: {  	[dreg:$0x3] =	wrdreg s5  }
0xaa: {  	[dreg:$0x4] =	wrdreg $0xC0  }
0xab: {  	_ =	task [dreg:s7], $0x5FFFF  }
0xac: {  	[dreg:$0x1] =	wrdreg $0xFFFFFFFF  }
0xad: {  	[dreg:$0x0] =	wrdreg $0x60  }
0xae: {  	[dreg:$0x2] =	wrdreg s2  }
0xaf: {  	[dreg:$0x3] =	wrdreg s24  }
0xb0: {  	[dreg:$0x4] =	wrdreg $0x9  }
0xb1: {  	_ =	task.clear_ibuf [dreg:s7], $0x5FFFF;
	_ =	strace $0x90000046  }
0xb2: {  	s29 =	simm.s32 $0x9;
	_ =	strace $0x80000048  }
0xb3: {  	_ =	swait.ge [sflag:s29], $0x1  }
0xb4: {  	[sflag:s29] =	ssyncadd.s32 $0xFFFFFFFF  }
0xb5: {  	_ =	strace $0x90000048  }
0xb6: {  	_ =	sfence  }
0xb7: {  	s30 =	sld [smem:$0x0];
	_ =	sdelay $0x2  }
0xb8: {  	s31 =	sshll.u32 s1, $0xD;
	s1 =	sshrl.u32 s1, $0x2  }
0xb9: {  	s3 =	sand.u32 $0x4000, s31;
	s1 =	sadd.s32 s1, s30  }
0xba: {  	s0 =	sor.u32 s3, s0;
	s1 =	sshll.u32 s1, $0x11  }
0xbb: {  	s0 =	sor.u32 s1, s0  }
0xbc: {  	s0 =	sadd.s32 $0x8F2B, s0  }
0xbd: {  	[sflag:s0] =	ssyncadd.remote.s32 $0x1  }
0xbe: {  	_ =	sfence.sel $0xFFFF  }
0xbf: {  	[dreg:$0x0] =	wrdreg $0xFFFFFFFF;
	(pc) =	sbr.abs _section_cstart, $3  }
0xc0: {  	[dreg:$0x1] =	wrdreg $0xFFFFFFFF  }
0xc1: {  	_ =	task.clear_ibuf [dreg:s7], $0x2FFFF;
	_ =	strace $0x9FFFFFFF  }
0xc2: {  	(tm) =	ssettm $0x7FFFFFFF  }
0xc3: {  	_ =	shalt  }
tec
execute0_lowered:
.L_overlay_start_1:
0x0: {  	(tag) =	ssettag $0x1  }
0x1: {  	s3 =	rddreg [dreg:$0x0];
	s0 =	srdreg.scid  }
0x2: {  	s4 =	rddreg [dreg:$0x1];
	s1 =	stileid.u32;
	s2 =	simm.s32 $0x0  }
0x3: {  	s14 =	simm.s32 $0x0;
	s5 =	sand.u32 $0x1, s0;
	s0 =	rddreg [dreg:$0x2]  }
0x4: {  	s7 =	smul.u32 $0x9D0, s1;
	[smem:$0x7FF] =	sst s2;
	s9 =	sshll.u32 s1, $0x4  }
0x5: {  	s6 =	sshll.u32 s5, $0x4;
	_ =	strace $0x80000047;
	s9 =	sand.u32 $0x70, s9  }
0x6: {  	s30 =	ssub.s32 $0x2, s5;
	s12 =	smul.u32 $0x1388, s5;
	s6 =	sor.u32 s1, s6  }
0x7: {  	s10 =	sadd.s32 s7, s4;
	s11 =	sshrl.u32 s30, $0x1;
	s3 =	sadd.s32 s3, s7  }
0x8: {  	s8 =	smul.u32 $0xA00, s6;
	s6 =	sshll.u32 s6, $0x4;
	s13 =	sadd.s32 $0x1388, s12  }
0x9: {  	v0 =	vmov s12;
	s12 =	simm.s32 $0x9D00;
	s31 =	sand.u32 $0x180, s6;
	v1 =	vmov s13;
	s13 =	simm.s32 $0x13B00  }
0xa: {  	s8 =	sadd.s32 s8, s4;
	s4 =	sadd.s32 s9, s4;
	s9 =	ssub.s32 s30, s11  }
0xb: {  	s11 =	simm.s32 $0xEC00;
	s5 =	sadd.s32 s31, s4;
	s4 =	sadd.s32 $0x3800, s10  }
0xc: {  	s6 =	sadd.s32 $0xD600, s8;
	s7 =	sadd.s32 $0x21600, s8;
	s8 =	smax.u32 s9, $0x1  }
0xd: {  	v2 =	vimm.s32 $0x0;
	s9 =	simm.s32 $0x1;
	s10 =	simm.s32 $0x4E80;
	s5 =	sadd.s32 $0x35600, s5  }
.LBB2_1:
0xe: {  	[tilespmem:s2], [sflag:$0x1] =	stream.linear.gather [hbm4b:s3+s2], $0x4E80, $0x38;
	[tilespmem:$0x13B80] =	vst v63  }
0xf: {  	_ =	swait.ge [sflag:s9], $0x4E80  }
0x10: {  	[sflag:s9] =	ssyncset.done $0x0  }
0x11: {  	[sflag:s9] =	ssyncadd.s32 $0xFFFFB180  }
0x12: {  	[tilespmem:s10], [sflag:$0x1] =	stream.linear.gather [hbm4b:s4+s2], $0x4E80, $0x38;
	[tilespmem:$0x13B80] =	vst v63  }
0x13: {  	_ =	swait.ge [sflag:s9], $0x4E80  }
0x14: {  	[sflag:s9] =	ssyncset.done $0x0  }
0x15: {  	s21 =	simm.s32 $0x0;
	[sflag:s9] =	ssyncadd.s32 $0xFFFFB180  }
0x16: {  	v7 =	vld [tilespmem:s21+$0x4E80];
	_ =	sdelay $0x4  }
0x17: {  	vm0 =	vge.s32 v7, v0;
	vm1 =	vlt.s32 v7, v1  }
0x18: {  	vm0 =	vmand vm0, vm1  }
0x19: {  	v3 =	vsel vm0, $0x1, v2  }
0x1a: {  	(xrf0) =	vadd.scan.msk.s32 $0xffff, v3  }
0x1b: {  	s18 =	simm.s32 $0x10  }
0x1c: {  	s17 =	simm.s32 $0x20;
	v5 =	vld [tilespmem:s18+$0x4E80]  }
0x1d: {  	v4 =	vld [tilespmem:s17+$0x4E80];
	_ =	sdelay $0x1  }
0x1e: {  	s15 =	simm.s32 $0x30  }
0x1f: {  	v3 =	vld [tilespmem:s15+$0x4E80];
	v8, _, _ =	vpop (xrf0)  }
0x20: {  	(v2sf) =	vpush v8, $0xF  }
0x21: {  	vm2 =	vlt.s32 v5, v1;
	vm3 =	vlt.s32 v4, v1;
	vm1 =	vge.s32 v5, v0  }
0x22: {  	vm1 =	vmand vm1, vm2;
	vm0 =	vmmov vm0;
	vm2 =	vge.s32 v4, v0  }
0x23: {  	v6 =	vsel vm1, $0x1, v2;
	vm0 =	vmmov vm0;
	vm2 =	vmand vm2, vm3  }
0x24: {  	s16 =	simm.s32 $0x40;
	vm3 =	vge.s32 v3, v0;
	vm4 =	vlt.s32 v3, v1;
	(xrf0) =	vadd.scan.msk.s32 $0xffff, v6;
	v6 =	vsel vm2, $0x1, v2  }
0x25: {  	vm0 =	vmmov vm0;
	vm4 =	vmand vm3, vm4;
	(xrf0) =	vadd.scan.msk.s32 $0xffff, v6;
	v6 =	vld [tilespmem:s16+$0x4E80]  }
0x26: {  	v10 =	vsel vm0, $0xFFFFFFFF, v2;
	v9 =	vsel vm4, $0x1, v2  }
0x27: {  	(xrf0) =	vadd.scan.msk.s32 $0xffff, v9;
	v9 =	vadd.s32 s2, v10  }
0x28: {  	v8 =	vadd.s32 v8, v9  }
0x29: {  	vm1 =	vmmov vm1;
	v8 =	vnsel vm0, $0x4EFF, v8  }
0x2a: {  	vm0 =	vmmov vm1;
	vm3 =	vge.s32 v6, v0;
	vm5 =	vlt.s32 v6, v1  }
0x2b: {  	vm1 =	vmmov vm0;
	vm0 =	vmand vm3, vm5  }
0x2c: {  	v12, _, _ =	vpop (xrf0);
	v11 =	vsel vm0, $0x1, v2  }
0x2d: {  	(v2sf) =	vpush v12, $0xF  }
0x2e: {  	v9, _, _ =	vpop (xrf0)  }
0x2f: {  	(xrf0) =	vadd.scan.msk.s32 $0xffff, v11;
	v11, _, _ =	vpop (xrf0);
	s19 =	spop (v2sf);
	(v2sf) =	vpush v9, $0xF  }
0x30: {  	(v2sf) =	vpush v11, $0xF;
	_ =	sdelay $0x4  }
0x31: {  	v10 =	vld [tilespmem:s21+$0x0];
	s20 =	sadd.s32 $0x0, s19;
	s19 =	simm.s32 $0x50  }
0x32: {  	v14 =	vsub.s32 v7, v0;
	v7 =	vld [tilespmem:s19+$0x4E80]  }
0x33: {  	v13 =	vsel vm1, $0xFFFFFFFF, v2  }
0x34: {  	vm2 =	vmmov vm2;
	v13 =	vadd.s32 s20, v13  }
0x35: {  	s21 =	simm.s32 $0x180;
	vm3 =	vmmov vm2;
	vm2 =	vmmov vm4;
	[tilespmem:v8+s11+$0x0] =	vst.idx.msk $0xffff, v14;
	v12 =	vadd.s32 v12, v13  }
.LBB2_2:
0x36: {  	p0 =	sne.s32 s21, $0x13840;
	[tilespmem:v8+s12+$0x0] =	vst.idx.msk $0xffff, v10;
	v8 =	vnsel vm1, $0x4EFF, v12;
	v13 =	vmovc v6;
	v12 =	vmovc v9;
	v9 =	vmov v11;
	vm1 =	vmmov vm3;
	s22 =	smov.u32 s21;
	s21 =	sadd.s32 $0x40, s21  }
.Ltmp0:
0x37: {  	vm3 =	vmmov vm2;
	s22 =	sshra.s32 s22, $0x2;
	vm4 =	vge.s32 v7, v0;
	vm5 =	vlt.s32 v7, v1;
	v10 =	vld [tilespmem:s18+$0x0];
	v6 =	vmovc v7;
	s18 =	smov.u32 s17;
	(pc) =	sbr.rel @p0 .LBB2_2-.Ltmp0, $4  }
0x38: {  	vm2 =	vmmov vm0;
	s17 =	smov.u32 s15;
	s15 =	smov.u32 s16;
	v7 =	vld [tilespmem:s22+$0x4E80];
	s23 =	spop (v2sf);
	vm0 =	vmand vm4, vm5  }
0x39: {  	v14 =	vsel vm1, $0xFFFFFFFF, v2;
	s16 =	smov.u32 s19;
	s19 =	smov.u32 s22;
	v15 =	vsel vm0, $0x1, v2;
	s20 =	sadd.s32 s20, s23  }
0x3a: {  	(xrf0) =	vadd.scan.msk.s32 $0xffff, v15;
	v11, _, _ =	vpop (xrf0);
	v14 =	vadd.s32 s20, v14;
	v15 =	vsub.s32 v5, v0;
	v5 =	vmov v4  }
0x3b: {  	v4 =	vmovc v3;
	v3 =	vmov v13;
	(v2sf) =	vpush v11, $0xF;
	v12 =	vadd.s32 v12, v14;
	[tilespmem:v8+s11+$0x0] =	vst.idx.msk $0xffff, v15  }
0x3c: {  	_ = 	snop  }
0x3d: {  	vm4 =	vge.s32 v7, v0;
	vm5 =	vlt.s32 v7, v1  }
0x3e: {  	vm4 =	vmand vm4, vm5  }
0x3f: {  	v13 =	vsel vm4, $0x1, v2  }
0x40: {  	(xrf0) =	vadd.scan.msk.s32 $0xffff, v13;
	_ =	sdelay $0x4  }
0x41: {  	v58, _, _ =	vpop (xrf0)  }
0x42: {  	(v2sf) =	vpush v58, $0xF;
	v14, _, _ =	vpop (xrf0)  }
0x43: {  	(v2sf) =	vpush v14, $0xF;
	_ =	sdelay $0xa  }
0x44: {  	s21 =	spop (v2sf)  }
0x45: {  	s22 =	spop (v2sf);
	s20 =	sadd.s32 s20, s21  }
0x46: {  	s21 =	sadd.s32 s20, s22;
	s25 =	spop (v2sf)  }
0x47: {  	vm3 =	vmmov vm3;
	v12 =	vnsel vm1, $0x4EFF, v12;
	vm13 =	vmmov vm2;
	s22 =	sadd.s32 s21, s25;
	s23 =	spop (v2sf)  }
0x48: {  	vm0 =	vmmov vm0;
	v5 =	vsub.s32 v5, v0;
	v15 =	vsel vm3, $0xFFFFFFFF, v2;
	s23 =	sadd.s32 s22, s23;
	s26 =	spop (v2sf)  }
0x49: {  	vm1 =	vmmov vm13;
	vm0 =	vmmov vm0;
	v15 =	vadd.s32 s20, v15;
	s20 =	sadd.s32 s23, s26  }
0x4a: {  	v59 =	vld [tilespmem:s18+$0x0];
	v16 =	vsel vm1, $0xFFFFFFFF, v2;
	vm0 =	vmmov vm0;
	v9 =	vadd.s32 v9, v15;
	s28 =	sadd.s32 $0xFF, s20  }
0x4b: {  	vm14 =	vmmov vm4;
	v16 =	vadd.s32 s21, v16;
	v9 =	vnsel vm3, $0x4EFF, v9;
	s29 =	sand.u32 $0xFF, s28  }
0x4c: {  	v18 =	vld [tilespmem:s17+$0x0];
	v17 =	vsel vm0, $0xFFFFFFFF, v2;
	v11 =	vadd.s32 v11, v16;
	vm2 =	vmmov vm14;
	s30 =	sshra.s32 s28, $0x1F;
	p1 =	slt.s32 s28, $0x1;
	p0 =	sne.s32 s29, $0x0  }
0x4d: {  	[tilespmem:v8+s12+$0x0] =	vst.idx.msk $0xffff, v10;
	v60 =	vnsel vm1, $0x4EFF, v11;
	vm15 =	vmmov vm2;
	v17 =	vadd.s32 s22, v17;
	s17 =	sshrl.u32 s30, $0x18;
	p0 =	por !p1, !p0  }
0x4e: {  	v61 =	vld [tilespmem:s15+$0x0];
	[tilespmem:v12+s11+$0x0] =	vst.idx.msk $0xffff, v5;
	v62 =	vsel vm15, $0xFFFFFFFF, v2;
	v5 =	vadd.s32 v58, v17;
	s31 =	sadd.s32 s17, s28;
	s17 =	simm.s32 $0x1;
	p0 =	por !p0, !p0  }
0x4f: {  	v4 =	vsub.s32 v4, v0;
	[tilespmem:v12+s12+$0x0] =	vst.idx.msk $0xffff, v59;
	v5 =	vnsel vm0, $0x4EFF, v5;
	v11 =	vadd.s32 s23, v62;
	s15 =	sshra.s32 s31, $0x8;
	s17 =	simm.s32 @!p0 $0x0  }
0x50: {  	[tilespmem:v9+s11+$0x0] =	vst.idx.msk $0xffff, v4;
	v4 =	vld [tilespmem:s16+$0x0];
	v11 =	vadd.s32 v14, v11;
	s15 =	ssub.s32 s15, s17  }
0x51: {  	v3 =	vsub.s32 v3, v0;
	[tilespmem:v9+s12+$0x0] =	vst.idx.msk $0xffff, v18;
	v63 =	vnsel vm15, $0x4EFF, v11;
	p0 =	sgt.s32 s15, $0x1  }
0x52: {  	[tilespmem:v60+s11+$0x0] =	vst.idx.msk $0xffff, v3;
	v3 =	vld [tilespmem:s19+$0x0];
	s15 =	simm.s32 @!p0 $0x1  }
0x53: {  	v6 =	vsub.s32 v6, v0;
	[tilespmem:v60+s12+$0x0] =	vst.idx.msk $0xffff, v61;
	s16 =	sshll.u32 s15, $0x8  }
0x54: {  	[tilespmem:v5+s11+$0x0] =	vst.idx.msk $0xffff, v6;
	p0 =	sge.s32 s20, s16  }
0x55: {  	[tilespmem:v5+s12+$0x0] =	vst.idx.msk $0xffff, v4;
	v4 =	vsub.s32 v7, v0;
	v5 =	vlaneseq.u32 @!p0  }
0x56: {  	[tilespmem:v63+s11+$0x0] =	vst.idx.msk $0xffff, v4;
	v4 =	vadd.s32 @!p0 s20, v5  }
0x57: {  	[tilespmem:v63+s12+$0x0] =	vst.idx.msk $0xffff, v3;
	v5 =	vand.u32 @!p0 $0x1FFF, v4;
	v3 =	vand.u32 @!p0 $0x3F0, v4  }
0x58: {  	s18 =	sadd.s32 $0x10, s20;
	s17 =	simm.s32 $0xF;
	p1 =	slt.s32 s20, s16;
	v3 =	vor.u32 @!p0 $0x1400, v3;
	[tilespmem:s20+$0x9D00] =	vst @!p0 v5  }
.LBB2_4:
0x59: {  	s17 =	sadd.s32 $0xFFFFFFFF, s17  }
0x5a: {  	[tilespmem:s20+$0xEC00] =	vst @!p0 v3;
	s20 =	smov.u32 @p1 s18;
	p2 =	sne.s32 s17, $0x0  }
.Ltmp1:
0x5b: {  	p0 =	sge.s32 s20, s16;
	s18 =	sadd.s32 $0x10, s20;
	(pc) =	sbr.rel @p2 .LBB2_4-.Ltmp1, $4  }
0x5c: {  	v3 =	vlaneseq.u32 @!p0  }
0x5d: {  	v3 =	vadd.s32 @!p0 s20, v3  }
0x5e: {  	v4 =	vand.u32 @!p0 $0x1FFF, v3;
	v3 =	vand.u32 @!p0 $0x3F0, v3  }
0x5f: {  	p1 =	slt.s32 s20, s16;
	v3 =	vor.u32 @!p0 $0x1400, v3;
	[tilespmem:s20+$0x9D00] =	vst @!p0 v4  }
0x60: {  	s15 =	sshll.u32 s15, $0x1  }
0x61: {  	[tilespmem:s20+$0xEC00] =	vst @!p0 v3;
	v3 =	vmov s15  }
0x62: {  	[tilespmem:$0x13B00] =	vst v3  }
0x63: {  	[hbm4b:s5+s2] =	stream.linear.scatter [tilespmem:s13], [sflag:$0x1], $0x80, $0x38;
	[tilespmem:$0x13B80] =	vst v63  }
0x64: {  	_ =	swait.ge [sflag:s9], $0x80  }
0x65: {  	[sflag:s9] =	ssyncset.done $0x0  }
0x66: {  	[sflag:s9] =	ssyncadd.s32 $0xFFFFFF80  }
0x67: {  	[hbm4b:s6+s2] =	stream.linear.scatter [tilespmem:s12], [sflag:$0x1], $0x4F00, $0x38;
	[tilespmem:$0x13B80] =	vst v63  }
0x68: {  	s14 =	sadd.s32 $0x1, s14;
	_ =	swait.ge [sflag:s9], $0x4F00  }
0x69: {  	p0 =	sne.s32 s14, s8;
	[sflag:s9] =	ssyncset.done $0x0  }
.Ltmp2:
0x6a: {  	[sflag:s9] =	ssyncadd.s32 $0xFFFFB100;
	(pc) =	sbr.rel @p0 .LBB2_1-.Ltmp2, $4  }
0x6b: {  	[hbm4b:s7+s2] =	stream.linear.scatter [tilespmem:s11], [sflag:$0x1], $0x4F00, $0x38;
	[tilespmem:$0x13B80] =	vst v63  }
0x6c: {  	_ =	swait.ge [sflag:s9], $0x4F00  }
0x6d: {  	[sflag:s9] =	ssyncset.done $0x0  }
0x6e: {  	[sflag:s9] =	ssyncadd.s32 $0xFFFFB100  }
0x6f: {  	_ =	sfence.sel $0x180000  }
0x70: {  	[bflag:$0x0] =	sbarrier.arrive $0xFFFF  }
0x71: {  	p0 =	sne.s32 s1, $0x0;
	_ =	strace $0x90000047  }
0x72: {  	s0 =	sadd.s32 @!p0 $0x100000, s0;
	[bflag:$0x2] =	sbarrier.arrive $0xFFFF  }
0x73: {  	[sflag:s0] =	ssyncadd.tile.s32 @!p0 $0x1;
	_ =	shalt  }
.Lfunc_end2:
_tile_overlayer_lowered:
.L_overlay_start_2:
0x74: {  	(tag) =	ssettag $0x2  }
0x75: {  	s0 =	rddreg [dreg:$0x0];
	s2 =	stileid.u32  }
0x76: {  	s1 =	rddreg [dreg:$0x1];
	p0 =	sne.s32 s2, $0x0  }
0x77: {  	s3 =	rddreg [dreg:$0x2];
	[bflag:$0x3] =	sbarrier.arrive $0xFFFF;
	s2 =	simm.s32 @!p0 $0x1C01  }
0x78: {  	[timem:s3], [sflag:s2] =	dma.local @!p0 [hbm:s0], s1  }
0x79: {  	s0 =	simm.s32 @!p0 $0x1  }
0x7a: {  	_ =	swait.ge @!p0 [sflag:s0], s1  }
0x7b: {  	s1 =	ssub.s32 @!p0 $0x0, s1;
	[sflag:s0] =	ssyncset.done @!p0 $0x0  }
0x7c: {  	[sflag:s0] =	ssyncadd.s32 @!p0 s1  }
0x7d: {  	[bflag:$0x3] =	sbarrier.arrive $0xFFFF  }
0x7e: {  	_ =	shalt  }

</sc_bundles>
